<compile_context>
chip_gen: v7x
topology: tpu7x:2x2x1
jax: 0.10.2.dev20260603
libtpu: 0.0.44.dev20260713+nightly
codegen_flags: <defaults>
</compile_context>

<pallas_src>
import functools

import jax
import jax.numpy as jnp
from jax import lax
from jax.experimental import pallas as pl
from jax.experimental.pallas import tpu as pltpu
from jax.experimental.pallas import tpu_sc as plsc

NUM_NODES = 200000
EMBED_DIM = 64
NUM_EDGES = 262144

NC = 2
NS = 16
NW = NC * NS
E_PER_W = NUM_EDGES // NW
CE = 128
NCHUNK = E_PER_W // CE
NBUF = 4


def _compute_chunk(sbuf, tbuf, rbuf, obuf, ch, lanes):
    @plsc.parallel_loop(0, CE, step=1, unroll=8)
    def edge_body(u):
        acc = None
        for kk in range(EMBED_DIM // 16):
            s = sbuf[u, pl.ds(kk * 16, 16)]
            t = tbuf[u, pl.ds(kk * 16, 16)]
            p = s * t
            acc = p if acc is None else acc + p
        rbuf[pl.ds(u * 16, 16)] = acc

    @plsc.parallel_loop(0, CE // 16, step=1, unroll=4)
    def group_body(g):
        e_vec = (lanes + g * 16) * 16
        tot = None
        for l in range(16):
            v = plsc.load_gather(rbuf, [e_vec + l])
            tot = v if tot is None else tot + v
        obuf[pl.ds(ch * CE + g * 16, 16)] = tot


def _scores_call(edge_index, embedding_weight):
    mesh = plsc.VectorSubcoreMesh(core_axis_name="c", subcore_axis_name="s")

    scratch = [
        pltpu.VMEM((E_PER_W,), jnp.int32),
        pltpu.VMEM((E_PER_W,), jnp.int32),
    ]
    for _ in range(NBUF):
        scratch.append(pltpu.VMEM((CE, EMBED_DIM), jnp.float32))
        scratch.append(pltpu.VMEM((CE, EMBED_DIM), jnp.float32))
    scratch.append(pltpu.VMEM((CE * 16,), jnp.float32))
    scratch.append(pltpu.VMEM((E_PER_W,), jnp.float32))
    scratch.extend([pltpu.SemaphoreType.DMA] * NBUF)

    @functools.partial(
        pl.kernel,
        mesh=mesh,
        compiler_params=pltpu.CompilerParams(
            needs_layout_passes=False, use_tc_tiling_on_sc=False
        ),
        out_type=jax.ShapeDtypeStruct((NUM_EDGES,), jnp.float32),
        scratch_types=scratch,
    )
    def k(*refs):
        edges_hbm, emb_hbm, out_hbm, sidx, didx = refs[:5]
        row_bufs = refs[5:5 + 2 * NBUF]
        rbuf, obuf = refs[5 + 2 * NBUF:7 + 2 * NBUF]
        sems = refs[7 + 2 * NBUF:]
        bufs = [(row_bufs[2 * j], row_bufs[2 * j + 1], sems[j])
                for j in range(NBUF)]

        wid = lax.axis_index("s") * NC + lax.axis_index("c")
        base = wid * E_PER_W
        pltpu.sync_copy(edges_hbm.at[0, pl.ds(base, E_PER_W)], sidx)
        pltpu.sync_copy(edges_hbm.at[1, pl.ds(base, E_PER_W)], didx)
        lanes = lax.iota(jnp.int32, 16)

        def start(ch, sbuf, tbuf, sem):
            pltpu.async_copy(emb_hbm.at[sidx.at[pl.ds(ch * CE, CE)]], sbuf, sem)
            pltpu.async_copy(emb_hbm.at[didx.at[pl.ds(ch * CE, CE)]], tbuf, sem)

        def wait(ch, sbuf, tbuf, sem):
            pltpu.make_async_copy(
                emb_hbm.at[sidx.at[pl.ds(ch * CE, CE)]], sbuf, sem).wait()
            pltpu.make_async_copy(
                emb_hbm.at[didx.at[pl.ds(ch * CE, CE)]], tbuf, sem).wait()

        for j in range(NBUF - 1):
            start(j, *bufs[j])

        def body(chN, carry):
            ch = chN * NBUF
            for j in range(NBUF):
                s_j, t_j, m_j = bufs[j]
                wait(ch + j, s_j, t_j, m_j)
                nxt = lax.rem(ch + j + NBUF - 1, NCHUNK)
                s_n, t_n, m_n = bufs[(j + NBUF - 1) % NBUF]
                start(nxt, s_n, t_n, m_n)
                _compute_chunk(s_j, t_j, rbuf, obuf, ch + j, lanes)
            return carry

        lax.fori_loop(0, NCHUNK // NBUF, body, 0)
        for j in range(NBUF - 1):
            wait(j, *bufs[j])
        pltpu.sync_copy(obuf, out_hbm.at[pl.ds(base, E_PER_W)])

    return k(edge_index, embedding_weight)


def kernel(edge_index, embedding_weight):
    return _scores_call(edge_index, embedding_weight)

# --- scband reference (transcript-rebuilt; emitter-appended) ---
"""Pipeline reference for scband-base-18751827214885 (READ-ONLY COPY).

The authoritative reference and input builder live on the scoring server;
editing this copy changes nothing except your own understanding.
"""

import jax, jax.numpy as jnp
import numpy as np

NUM_USERS = 100000
NUM_ITEMS = 100000
NUM_NODES = NUM_USERS + NUM_ITEMS
EMBED_DIM = 64
NUM_EDGES = 262144
SCALE = 0.1


def setup_inputs(seed: int = 0) -> dict:
    key = jax.random.key(seed)
    k1, k2 = jax.random.split(key)
    # edge_index: [2, num_edges], values in [0, num_nodes)
    edge_index = jax.random.randint(k1, (2, NUM_EDGES), 0, NUM_NODES, dtype=jnp.int32)
    # learned embedding table, init ~ U(-scale, scale) as in reset_parameters
    embedding_weight = jax.random.uniform(
        k2, (NUM_NODES, EMBED_DIM), minval=-SCALE, maxval=SCALE, dtype=jnp.float32
    )
    return {"edge_index": edge_index, "embedding_weight": embedding_weight}


def reference(edge_index, embedding_weight):
    # compute_embedding() is abstract in Base; concretized as identity over the
    # learned embedding table (the 0-layer GNN case used by all subclasses).
    out = embedding_weight
    # forward: gather src/dst node embeddings per edge
    out_src = jnp.take(out, edge_index[0], axis=0)  # [num_edges, d]
    out_dst = jnp.take(out, edge_index[1], axis=0)  # [num_edges, d]
    # score_function concretized as the standard inner-product score
    scores = jnp.sum(out_src * out_dst, axis=-1)  # [num_edges]
    return scores

if __name__ == "__main__":
    import jax
    _d = setup_inputs()
    print(jax.jit(kernel)(*tuple(_d.values())))

</pallas_src>

<mosaic_0001>
#map = affine_map<(d0, d1) -> (0, 0)>
#map1 = affine_map<(d0, d1) -> (0)>
module attributes {stable_mosaic.version = 14 : i64} {
  func.func @k(%arg0: i32, %arg1: i32, %arg2: memref<2x262144xi32, #tpu.memory_space<hbm>>, %arg3: memref<200000x64xf32, #tpu.memory_space<hbm>>, %arg4: memref<262144xf32, #tpu.memory_space<hbm>>, %arg5: memref<8192xi32, #tpu.memory_space<vmem>>, %arg6: memref<8192xi32, #tpu.memory_space<vmem>>, %arg7: memref<128x64xf32, #tpu.memory_space<vmem>>, %arg8: memref<128x64xf32, #tpu.memory_space<vmem>>, %arg9: memref<128x64xf32, #tpu.memory_space<vmem>>, %arg10: memref<128x64xf32, #tpu.memory_space<vmem>>, %arg11: memref<128x64xf32, #tpu.memory_space<vmem>>, %arg12: memref<128x64xf32, #tpu.memory_space<vmem>>, %arg13: memref<128x64xf32, #tpu.memory_space<vmem>>, %arg14: memref<128x64xf32, #tpu.memory_space<vmem>>, %arg15: memref<2048xf32, #tpu.memory_space<vmem>>, %arg16: memref<8192xf32, #tpu.memory_space<vmem>>, %arg17: memref<!tpu.dma_semaphore, #tpu.memory_space<semaphore_mem>>, %arg18: memref<!tpu.dma_semaphore, #tpu.memory_space<semaphore_mem>>, %arg19: memref<!tpu.dma_semaphore, #tpu.memory_space<semaphore_mem>>, %arg20: memref<!tpu.dma_semaphore, #tpu.memory_space<semaphore_mem>>) attributes {dimension_semantics = [#tpu.dimension_semantics<core_parallel>, #tpu.dimension_semantics<subcore_parallel>], iteration_bounds = array<i64: 2, 16>, scalar_prefetch = 0 : i64, scratch_operands = 16 : i64, tpu.core_type = #tpu.core_type<sc_vector_subcore>, window_params = [{transform_indices = #map}, {transform_indices = #map}, {transform_indices = #map1}]} {
    %mul3A = arith.constant 2 : i32
    %mul3A_0 = arith.muli %arg1, %mul3A : i32
    %add3A = arith.addi %mul3A_0, %arg0 : i32
    %mul3A_1 = arith.constant 8192 : i32
    %mul3A_2 = arith.muli %add3A, %mul3A_1 : i32
    %run_scoped3A = arith.constant 0 : i32
    "tpu.region"() ({
      %run_scoped3A_67 = tpu.sem_alloc : memref<!tpu.dma_semaphore, #tpu.memory_space<semaphore_mem>>
      %dma_start3A_68 = tpu.memref_slice %arg2[%run_scoped3A, %mul3A_2] : memref<2x262144xi32, #tpu.memory_space<hbm>> -> memref<1x8192xi32, #tpu.memory_space<hbm>>
      %dma_start3A_69 = tpu.memref_squeeze %dma_start3A_68 : memref<1x8192xi32, #tpu.memory_space<hbm>> -> memref<8192xi32, #tpu.memory_space<hbm>>
      %dma_start3A_70 = tpu.memref_slice %arg2[%run_scoped3A, %mul3A_2] : memref<2x262144xi32, #tpu.memory_space<hbm>> -> memref<1x8192xi32, #tpu.memory_space<hbm>>
      %dma_start3A_71 = tpu.memref_squeeze %dma_start3A_70 : memref<1x8192xi32, #tpu.memory_space<hbm>> -> memref<8192xi32, #tpu.memory_space<hbm>>
      tpu.enqueue_dma source(%dma_start3A_71 : memref<8192xi32, #tpu.memory_space<hbm>>) target(%arg5 : memref<8192xi32, #tpu.memory_space<vmem>>) target_semaphore(%run_scoped3A_67 : memref<!tpu.dma_semaphore, #tpu.memory_space<semaphore_mem>>)
      %dma_wait3A_72 = tpu.memref_slice %arg2[%run_scoped3A, %mul3A_2] : memref<2x262144xi32, #tpu.memory_space<hbm>> -> memref<1x8192xi32, #tpu.memory_space<hbm>>
      %dma_wait3A_73 = tpu.memref_squeeze %dma_wait3A_72 : memref<1x8192xi32, #tpu.memory_space<hbm>> -> memref<8192xi32, #tpu.memory_space<hbm>>
      %dma_wait3A_74 = tpu.memref_slice %arg2[%run_scoped3A, %mul3A_2] : memref<2x262144xi32, #tpu.memory_space<hbm>> -> memref<1x8192xi32, #tpu.memory_space<hbm>>
      %dma_wait3A_75 = tpu.memref_squeeze %dma_wait3A_74 : memref<1x8192xi32, #tpu.memory_space<hbm>> -> memref<8192xi32, #tpu.memory_space<hbm>>
      tpu.wait_dma2 semaphore(%run_scoped3A_67 : memref<!tpu.dma_semaphore, #tpu.memory_space<semaphore_mem>>) src(%dma_wait3A_75 : memref<8192xi32, #tpu.memory_space<hbm>>) dst(%arg5 : memref<8192xi32, #tpu.memory_space<vmem>>)
      tpu.yield
    }) : () -> ()
    %run_scoped3A_3 = arith.constant 1 : i32
    "tpu.region"() ({
      %run_scoped3A_67 = tpu.sem_alloc : memref<!tpu.dma_semaphore, #tpu.memory_space<semaphore_mem>>
      %dma_start3A_68 = tpu.memref_slice %arg2[%run_scoped3A_3, %mul3A_2] : memref<2x262144xi32, #tpu.memory_space<hbm>> -> memref<1x8192xi32, #tpu.memory_space<hbm>>
      %dma_start3A_69 = tpu.memref_squeeze %dma_start3A_68 : memref<1x8192xi32, #tpu.memory_space<hbm>> -> memref<8192xi32, #tpu.memory_space<hbm>>
      %dma_start3A_70 = tpu.memref_slice %arg2[%run_scoped3A_3, %mul3A_2] : memref<2x262144xi32, #tpu.memory_space<hbm>> -> memref<1x8192xi32, #tpu.memory_space<hbm>>
      %dma_start3A_71 = tpu.memref_squeeze %dma_start3A_70 : memref<1x8192xi32, #tpu.memory_space<hbm>> -> memref<8192xi32, #tpu.memory_space<hbm>>
      tpu.enqueue_dma source(%dma_start3A_71 : memref<8192xi32, #tpu.memory_space<hbm>>) target(%arg6 : memref<8192xi32, #tpu.memory_space<vmem>>) target_semaphore(%run_scoped3A_67 : memref<!tpu.dma_semaphore, #tpu.memory_space<semaphore_mem>>)
      %dma_wait3A_72 = tpu.memref_slice %arg2[%run_scoped3A_3, %mul3A_2] : memref<2x262144xi32, #tpu.memory_space<hbm>> -> memref<1x8192xi32, #tpu.memory_space<hbm>>
      %dma_wait3A_73 = tpu.memref_squeeze %dma_wait3A_72 : memref<1x8192xi32, #tpu.memory_space<hbm>> -> memref<8192xi32, #tpu.memory_space<hbm>>
      %dma_wait3A_74 = tpu.memref_slice %arg2[%run_scoped3A_3, %mul3A_2] : memref<2x262144xi32, #tpu.memory_space<hbm>> -> memref<1x8192xi32, #tpu.memory_space<hbm>>
      %dma_wait3A_75 = tpu.memref_squeeze %dma_wait3A_74 : memref<1x8192xi32, #tpu.memory_space<hbm>> -> memref<8192xi32, #tpu.memory_space<hbm>>
      tpu.wait_dma2 semaphore(%run_scoped3A_67 : memref<!tpu.dma_semaphore, #tpu.memory_space<semaphore_mem>>) src(%dma_wait3A_75 : memref<8192xi32, #tpu.memory_space<hbm>>) dst(%arg6 : memref<8192xi32, #tpu.memory_space<vmem>>)
      tpu.yield
    }) : () -> ()
    %iota3A = tpu.iota {dimensions = array<i32: 0>} : vector<16xi32>
    %dma_start3A = arith.constant 0 : i32
    %dma_start3A_4 = tpu.memref_slice %arg5[%dma_start3A] : memref<8192xi32, #tpu.memory_space<vmem>> -> memref<128xi32, #tpu.memory_space<vmem>>
    %dma_start3A_5 = arith.constant 0 : i32
    %dma_start3A_6 = arith.constant 0 : i32
    %dma_start3A_7 = tpu.memref_slice %arg3[%dma_start3A_5, %dma_start3A_6] : memref<200000x64xf32, #tpu.memory_space<hbm>> -> memref<200000x64xf32, #tpu.memory_space<hbm>>
    tpu.enqueue_indirect_dma source(%dma_start3A_7 : memref<200000x64xf32, #tpu.memory_space<hbm>>) target(%arg7 : memref<128x64xf32, #tpu.memory_space<vmem>>) offsets(%dma_start3A_4 : memref<128xi32, #tpu.memory_space<vmem>>) semaphore(%arg17 : memref<!tpu.dma_semaphore, #tpu.memory_space<semaphore_mem>>)
    %dma_start3A_8 = arith.constant 0 : i32
    %dma_start3A_9 = tpu.memref_slice %arg6[%dma_start3A_8] : memref<8192xi32, #tpu.memory_space<vmem>> -> memref<128xi32, #tpu.memory_space<vmem>>
    %dma_start3A_10 = arith.constant 0 : i32
    %dma_start3A_11 = arith.constant 0 : i32
    %dma_start3A_12 = tpu.memref_slice %arg3[%dma_start3A_10, %dma_start3A_11] : memref<200000x64xf32, #tpu.memory_space<hbm>> -> memref<200000x64xf32, #tpu.memory_space<hbm>>
    tpu.enqueue_indirect_dma source(%dma_start3A_12 : memref<200000x64xf32, #tpu.memory_space<hbm>>) target(%arg8 : memref<128x64xf32, #tpu.memory_space<vmem>>) offsets(%dma_start3A_9 : memref<128xi32, #tpu.memory_space<vmem>>) semaphore(%arg17 : memref<!tpu.dma_semaphore, #tpu.memory_space<semaphore_mem>>)
    %dma_start3A_13 = arith.constant 128 : i32
    %dma_start3A_14 = tpu.memref_slice %arg5[%dma_start3A_13] : memref<8192xi32, #tpu.memory_space<vmem>> -> memref<128xi32, #tpu.memory_space<vmem>>
    %dma_start3A_15 = arith.constant 0 : i32
    %dma_start3A_16 = arith.constant 0 : i32
    %dma_start3A_17 = tpu.memref_slice %arg3[%dma_start3A_15, %dma_start3A_16] : memref<200000x64xf32, #tpu.memory_space<hbm>> -> memref<200000x64xf32, #tpu.memory_space<hbm>>
    tpu.enqueue_indirect_dma source(%dma_start3A_17 : memref<200000x64xf32, #tpu.memory_space<hbm>>) target(%arg9 : memref<128x64xf32, #tpu.memory_space<vmem>>) offsets(%dma_start3A_14 : memref<128xi32, #tpu.memory_space<vmem>>) semaphore(%arg18 : memref<!tpu.dma_semaphore, #tpu.memory_space<semaphore_mem>>)
    %dma_start3A_18 = arith.constant 128 : i32
    %dma_start3A_19 = tpu.memref_slice %arg6[%dma_start3A_18] : memref<8192xi32, #tpu.memory_space<vmem>> -> memref<128xi32, #tpu.memory_space<vmem>>
    %dma_start3A_20 = arith.constant 0 : i32
    %dma_start3A_21 = arith.constant 0 : i32
    %dma_start3A_22 = tpu.memref_slice %arg3[%dma_start3A_20, %dma_start3A_21] : memref<200000x64xf32, #tpu.memory_space<hbm>> -> memref<200000x64xf32, #tpu.memory_space<hbm>>
    tpu.enqueue_indirect_dma source(%dma_start3A_22 : memref<200000x64xf32, #tpu.memory_space<hbm>>) target(%arg10 : memref<128x64xf32, #tpu.memory_space<vmem>>) offsets(%dma_start3A_19 : memref<128xi32, #tpu.memory_space<vmem>>) semaphore(%arg18 : memref<!tpu.dma_semaphore, #tpu.memory_space<semaphore_mem>>)
    %dma_start3A_23 = arith.constant 256 : i32
    %dma_start3A_24 = tpu.memref_slice %arg5[%dma_start3A_23] : memref<8192xi32, #tpu.memory_space<vmem>> -> memref<128xi32, #tpu.memory_space<vmem>>
    %dma_start3A_25 = arith.constant 0 : i32
    %dma_start3A_26 = arith.constant 0 : i32
    %dma_start3A_27 = tpu.memref_slice %arg3[%dma_start3A_25, %dma_start3A_26] : memref<200000x64xf32, #tpu.memory_space<hbm>> -> memref<200000x64xf32, #tpu.memory_space<hbm>>
    tpu.enqueue_indirect_dma source(%dma_start3A_27 : memref<200000x64xf32, #tpu.memory_space<hbm>>) target(%arg11 : memref<128x64xf32, #tpu.memory_space<vmem>>) offsets(%dma_start3A_24 : memref<128xi32, #tpu.memory_space<vmem>>) semaphore(%arg19 : memref<!tpu.dma_semaphore, #tpu.memory_space<semaphore_mem>>)
    %dma_start3A_28 = arith.constant 256 : i32
    %dma_start3A_29 = tpu.memref_slice %arg6[%dma_start3A_28] : memref<8192xi32, #tpu.memory_space<vmem>> -> memref<128xi32, #tpu.memory_space<vmem>>
    %dma_start3A_30 = arith.constant 0 : i32
    %dma_start3A_31 = arith.constant 0 : i32
    %dma_start3A_32 = tpu.memref_slice %arg3[%dma_start3A_30, %dma_start3A_31] : memref<200000x64xf32, #tpu.memory_space<hbm>> -> memref<200000x64xf32, #tpu.memory_space<hbm>>
    tpu.enqueue_indirect_dma source(%dma_start3A_32 : memref<200000x64xf32, #tpu.memory_space<hbm>>) target(%arg12 : memref<128x64xf32, #tpu.memory_space<vmem>>) offsets(%dma_start3A_29 : memref<128xi32, #tpu.memory_space<vmem>>) semaphore(%arg19 : memref<!tpu.dma_semaphore, #tpu.memory_space<semaphore_mem>>)
    %scan3A = arith.constant 0 : i32
    %scan3A_33 = arith.constant 0 : i32
    %scan3A_34 = arith.constant 16 : i32
    %scan3A_35 = arith.addi %scan3A_33, %scan3A_34 : i32
    %scan3A_36 = arith.constant 1 : i32
    scf.for %scan3A_67 = %scan3A_33 to %scan3A_35 step %scan3A_36  : i32 {
      %mul3A_68 = arith.constant 4 : i32
      %mul3A_69 = arith.muli %scan3A_67, %mul3A_68 : i32
      %add3A_70 = arith.constant 0 : i32
      %add3A_71 = arith.addi %mul3A_69, %add3A_70 : i32
      %mul3A_72 = arith.constant 128 : i32
      %mul3A_73 = arith.muli %add3A_71, %mul3A_72 : i32
      %dma_wait3A_74 = tpu.memref_slice %arg5[%mul3A_73] : memref<8192xi32, #tpu.memory_space<vmem>> -> memref<128xi32, #tpu.memory_space<vmem>>
      %dma_wait3A_75 = arith.constant 0 : i32
      %dma_wait3A_76 = arith.constant 0 : i32
      %dma_wait3A_77 = tpu.memref_slice %arg3[%dma_wait3A_75, %dma_wait3A_76] : memref<200000x64xf32, #tpu.memory_space<hbm>> -> memref<200000x64xf32, #tpu.memory_space<hbm>>
      tpu.wait_indirect_dma semaphore(%arg17 : memref<!tpu.dma_semaphore, #tpu.memory_space<semaphore_mem>>) src(%dma_wait3A_77 : memref<200000x64xf32, #tpu.memory_space<hbm>>) dst(%arg7 : memref<128x64xf32, #tpu.memory_space<vmem>>)
      %mul3A_78 = arith.constant 128 : i32
      %mul3A_79 = arith.muli %add3A_71, %mul3A_78 : i32
      %dma_wait3A_80 = tpu.memref_slice %arg6[%mul3A_79] : memref<8192xi32, #tpu.memory_space<vmem>> -> memref<128xi32, #tpu.memory_space<vmem>>
      %dma_wait3A_81 = arith.constant 0 : i32
      %dma_wait3A_82 = arith.constant 0 : i32
      %dma_wait3A_83 = tpu.memref_slice %arg3[%dma_wait3A_81, %dma_wait3A_82] : memref<200000x64xf32, #tpu.memory_space<hbm>> -> memref<200000x64xf32, #tpu.memory_space<hbm>>
      tpu.wait_indirect_dma semaphore(%arg17 : memref<!tpu.dma_semaphore, #tpu.memory_space<semaphore_mem>>) src(%dma_wait3A_83 : memref<200000x64xf32, #tpu.memory_space<hbm>>) dst(%arg8 : memref<128x64xf32, #tpu.memory_space<vmem>>)
      %add3A_84 = arith.constant 0 : i32
      %add3A_85 = arith.addi %mul3A_69, %add3A_84 : i32
      %add3A_86 = arith.constant 4 : i32
      %add3A_87 = arith.addi %add3A_85, %add3A_86 : i32
      %sub3A = arith.constant 1 : i32
      %sub3A_88 = arith.subi %add3A_87, %sub3A : i32
      %rem3A = arith.constant 64 : i32
      %rem3A_89 = arith.remsi %sub3A_88, %rem3A : i32
      %mul3A_90 = arith.constant 128 : i32
      %mul3A_91 = arith.muli %rem3A_89, %mul3A_90 : i32
      %dma_start3A_92 = tpu.memref_slice %arg5[%mul3A_91] : memref<8192xi32, #tpu.memory_space<vmem>> -> memref<128xi32, #tpu.memory_space<vmem>>
      %dma_start3A_93 = arith.constant 0 : i32
      %dma_start3A_94 = arith.constant 0 : i32
      %dma_start3A_95 = tpu.memref_slice %arg3[%dma_start3A_93, %dma_start3A_94] : memref<200000x64xf32, #tpu.memory_space<hbm>> -> memref<200000x64xf32, #tpu.memory_space<hbm>>
      tpu.enqueue_indirect_dma source(%dma_start3A_95 : memref<200000x64xf32, #tpu.memory_space<hbm>>) target(%arg13 : memref<128x64xf32, #tpu.memory_space<vmem>>) offsets(%dma_start3A_92 : memref<128xi32, #tpu.memory_space<vmem>>) semaphore(%arg20 : memref<!tpu.dma_semaphore, #tpu.memory_space<semaphore_mem>>)
      %mul3A_96 = arith.constant 128 : i32
      %mul3A_97 = arith.muli %rem3A_89, %mul3A_96 : i32
      %dma_start3A_98 = tpu.memref_slice %arg6[%mul3A_97] : memref<8192xi32, #tpu.memory_space<vmem>> -> memref<128xi32, #tpu.memory_space<vmem>>
      %dma_start3A_99 = arith.constant 0 : i32
      %dma_start3A_100 = arith.constant 0 : i32
      %dma_start3A_101 = tpu.memref_slice %arg3[%dma_start3A_99, %dma_start3A_100] : memref<200000x64xf32, #tpu.memory_space<hbm>> -> memref<200000x64xf32, #tpu.memory_space<hbm>>
      tpu.enqueue_indirect_dma source(%dma_start3A_101 : memref<200000x64xf32, #tpu.memory_space<hbm>>) target(%arg14 : memref<128x64xf32, #tpu.memory_space<vmem>>) offsets(%dma_start3A_98 : memref<128xi32, #tpu.memory_space<vmem>>) semaphore(%arg20 : memref<!tpu.dma_semaphore, #tpu.memory_space<semaphore_mem>>)
      %add3A_102 = arith.constant 0 : i32
      %add3A_103 = arith.addi %mul3A_69, %add3A_102 : i32
      %parallel_loop3A = arith.constant 0 : i32
      %parallel_loop3A_104 = arith.constant 128 : i32
      %parallel_loop3A_105 = arith.constant 1 : i32
      scf.for %parallel_loop3A_235 = %parallel_loop3A to %parallel_loop3A_104 step %parallel_loop3A_105  : i32 {
        %parallel_loop3A_236 = arith.index_cast %parallel_loop3A_235 : i32 to index
        %parallel_loop3A_237 = arith.constant 0 : index
        %parallel_loop3A_238 = tpu.vector_load %arg7[%parallel_loop3A_236, %parallel_loop3A_237] {strides = array<i32>} : memref<128x64xf32, #tpu.memory_space<vmem>>, vector<16xf32>,
        %parallel_loop3A_239 = arith.index_cast %parallel_loop3A_235 : i32 to index
        %parallel_loop3A_240 = arith.constant 0 : index
        %parallel_loop3A_241 = tpu.vector_load %arg8[%parallel_loop3A_239, %parallel_loop3A_240] {strides = array<i32>} : memref<128x64xf32, #tpu.memory_space<vmem>>, vector<16xf32>,
        %parallel_loop3A_242 = arith.mulf %parallel_loop3A_238, %parallel_loop3A_241 : vector<16xf32>
        %parallel_loop3A_243 = arith.index_cast %parallel_loop3A_235 : i32 to index
        %parallel_loop3A_244 = arith.constant 16 : index
        %parallel_loop3A_245 = tpu.vector_load %arg7[%parallel_loop3A_243, %parallel_loop3A_244] {strides = array<i32>} : memref<128x64xf32, #tpu.memory_space<vmem>>, vector<16xf32>,
        %parallel_loop3A_246 = arith.index_cast %parallel_loop3A_235 : i32 to index
        %parallel_loop3A_247 = arith.constant 16 : index
        %parallel_loop3A_248 = tpu.vector_load %arg8[%parallel_loop3A_246, %parallel_loop3A_247] {strides = array<i32>} : memref<128x64xf32, #tpu.memory_space<vmem>>, vector<16xf32>,
        %parallel_loop3A_249 = arith.mulf %parallel_loop3A_245, %parallel_loop3A_248 : vector<16xf32>
        %parallel_loop3A_250 = arith.addf %parallel_loop3A_242, %parallel_loop3A_249 : vector<16xf32>
        %parallel_loop3A_251 = arith.index_cast %parallel_loop3A_235 : i32 to index
        %parallel_loop3A_252 = arith.constant 32 : index
        %parallel_loop3A_253 = tpu.vector_load %arg7[%parallel_loop3A_251, %parallel_loop3A_252] {strides = array<i32>} : memref<128x64xf32, #tpu.memory_space<vmem>>, vector<16xf32>,
        %parallel_loop3A_254 = arith.index_cast %parallel_loop3A_235 : i32 to index
        %parallel_loop3A_255 = arith.constant 32 : index
        %parallel_loop3A_256 = tpu.vector_load %arg8[%parallel_loop3A_254, %parallel_loop3A_255] {strides = array<i32>} : memref<128x64xf32, #tpu.memory_space<vmem>>, vector<16xf32>,
        %parallel_loop3A_257 = arith.mulf %parallel_loop3A_253, %parallel_loop3A_256 : vector<16xf32>
        %parallel_loop3A_258 = arith.addf %parallel_loop3A_250, %parallel_loop3A_257 : vector<16xf32>
        %parallel_loop3A_259 = arith.index_cast %parallel_loop3A_235 : i32 to index
        %parallel_loop3A_260 = arith.constant 48 : index
        %parallel_loop3A_261 = tpu.vector_load %arg7[%parallel_loop3A_259, %parallel_loop3A_260] {strides = array<i32>} : memref<128x64xf32, #tpu.memory_space<vmem>>, vector<16xf32>,
        %parallel_loop3A_262 = arith.index_cast %parallel_loop3A_235 : i32 to index
        %parallel_loop3A_263 = arith.constant 48 : index
        %parallel_loop3A_264 = tpu.vector_load %arg8[%parallel_loop3A_262, %parallel_loop3A_263] {strides = array<i32>} : memref<128x64xf32, #tpu.memory_space<vmem>>, vector<16xf32>,
        %parallel_loop3A_265 = arith.mulf %parallel_loop3A_261, %parallel_loop3A_264 : vector<16xf32>
        %parallel_loop3A_266 = arith.addf %parallel_loop3A_258, %parallel_loop3A_265 : vector<16xf32>
        %parallel_loop3A_267 = arith.constant 16 : i32
        %parallel_loop3A_268 = arith.muli %parallel_loop3A_235, %parallel_loop3A_267 : i32
        %parallel_loop3A_269 = arith.index_cast %parallel_loop3A_268 : i32 to index
        %parallel_loop3A_270 = tpu.vector_load %arg15[%parallel_loop3A_269] {strides = array<i32>} : memref<2048xf32, #tpu.memory_space<vmem>>, vector<16xf32>,
        tpu.vector_store %arg15[%parallel_loop3A_269], %parallel_loop3A_266 {strides = array<i32>} : memref<2048xf32, #tpu.memory_space<vmem>>, vector<16xf32>,
      } {sc.loop_unroll_factor = 8 : i64, sc.parallel_access}
      %parallel_loop3A_106 = arith.constant 0 : i32
      %parallel_loop3A_107 = arith.constant 8 : i32
      %parallel_loop3A_108 = arith.constant 1 : i32
      scf.for %parallel_loop3A_235 = %parallel_loop3A_106 to %parallel_loop3A_107 step %parallel_loop3A_108  : i32 {
        %parallel_loop3A_236 = arith.constant 16 : i32
        %parallel_loop3A_237 = arith.muli %parallel_loop3A_235, %parallel_loop3A_236 : i32
        %parallel_loop3A_238 = vector.broadcast %parallel_loop3A_237 : i32 to vector<16xi32>
        %parallel_loop3A_239 = arith.addi %iota3A, %parallel_loop3A_238 : vector<16xi32>
        %parallel_loop3A_240 = arith.constant 16 : i32
        %parallel_loop3A_241 = vector.broadcast %parallel_loop3A_240 : i32 to vector<16xi32>
        %parallel_loop3A_242 = arith.muli %parallel_loop3A_239, %parallel_loop3A_241 : vector<16xi32>
        %parallel_loop3A_243 = arith.constant 0 : i32
        %parallel_loop3A_244 = vector.broadcast %parallel_loop3A_243 : i32 to vector<16xi32>
        %parallel_loop3A_245 = arith.addi %parallel_loop3A_242, %parallel_loop3A_244 : vector<16xi32>
        %parallel_loop3A_246 = tpu.vector_load_idx %arg15[%parallel_loop3A_245] : memref<2048xf32, #tpu.memory_space<vmem>>[vector<16xi32>], vector<16xf32>,
        %parallel_loop3A_247 = arith.constant 1 : i32
        %parallel_loop3A_248 = vector.broadcast %parallel_loop3A_247 : i32 to vector<16xi32>
        %parallel_loop3A_249 = arith.addi %parallel_loop3A_242, %parallel_loop3A_248 : vector<16xi32>
        %parallel_loop3A_250 = tpu.vector_load_idx %arg15[%parallel_loop3A_249] : memref<2048xf32, #tpu.memory_space<vmem>>[vector<16xi32>], vector<16xf32>,
        %parallel_loop3A_251 = arith.addf %parallel_loop3A_246, %parallel_loop3A_250 : vector<16xf32>
        %parallel_loop3A_252 = arith.constant 2 : i32
        %parallel_loop3A_253 = vector.broadcast %parallel_loop3A_252 : i32 to vector<16xi32>
        %parallel_loop3A_254 = arith.addi %parallel_loop3A_242, %parallel_loop3A_253 : vector<16xi32>
        %parallel_loop3A_255 = tpu.vector_load_idx %arg15[%parallel_loop3A_254] : memref<2048xf32, #tpu.memory_space<vmem>>[vector<16xi32>], vector<16xf32>,
        %parallel_loop3A_256 = arith.addf %parallel_loop3A_251, %parallel_loop3A_255 : vector<16xf32>
        %parallel_loop3A_257 = arith.constant 3 : i32
        %parallel_loop3A_258 = vector.broadcast %parallel_loop3A_257 : i32 to vector<16xi32>
        %parallel_loop3A_259 = arith.addi %parallel_loop3A_242, %parallel_loop3A_258 : vector<16xi32>
        %parallel_loop3A_260 = tpu.vector_load_idx %arg15[%parallel_loop3A_259] : memref<2048xf32, #tpu.memory_space<vmem>>[vector<16xi32>], vector<16xf32>,
        %parallel_loop3A_261 = arith.addf %parallel_loop3A_256, %parallel_loop3A_260 : vector<16xf32>
        %parallel_loop3A_262 = arith.constant 4 : i32
        %parallel_loop3A_263 = vector.broadcast %parallel_loop3A_262 : i32 to vector<16xi32>
        %parallel_loop3A_264 = arith.addi %parallel_loop3A_242, %parallel_loop3A_263 : vector<16xi32>
        %parallel_loop3A_265 = tpu.vector_load_idx %arg15[%parallel_loop3A_264] : memref<2048xf32, #tpu.memory_space<vmem>>[vector<16xi32>], vector<16xf32>,
        %parallel_loop3A_266 = arith.addf %parallel_loop3A_261, %parallel_loop3A_265 : vector<16xf32>
        %parallel_loop3A_267 = arith.constant 5 : i32
        %parallel_loop3A_268 = vector.broadcast %parallel_loop3A_267 : i32 to vector<16xi32>
        %parallel_loop3A_269 = arith.addi %parallel_loop3A_242, %parallel_loop3A_268 : vector<16xi32>
        %parallel_loop3A_270 = tpu.vector_load_idx %arg15[%parallel_loop3A_269] : memref<2048xf32, #tpu.memory_space<vmem>>[vector<16xi32>], vector<16xf32>,
        %parallel_loop3A_271 = arith.addf %parallel_loop3A_266, %parallel_loop3A_270 : vector<16xf32>
        %parallel_loop3A_272 = arith.constant 6 : i32
        %parallel_loop3A_273 = vector.broadcast %parallel_loop3A_272 : i32 to vector<16xi32>
        %parallel_loop3A_274 = arith.addi %parallel_loop3A_242, %parallel_loop3A_273 : vector<16xi32>
        %parallel_loop3A_275 = tpu.vector_load_idx %arg15[%parallel_loop3A_274] : memref<2048xf32, #tpu.memory_space<vmem>>[vector<16xi32>], vector<16xf32>,
        %parallel_loop3A_276 = arith.addf %parallel_loop3A_271, %parallel_loop3A_275 : vector<16xf32>
        %parallel_loop3A_277 = arith.constant 7 : i32
        %parallel_loop3A_278 = vector.broadcast %parallel_loop3A_277 : i32 to vector<16xi32>
        %parallel_loop3A_279 = arith.addi %parallel_loop3A_242, %parallel_loop3A_278 : vector<16xi32>
        %parallel_loop3A_280 = tpu.vector_load_idx %arg15[%parallel_loop3A_279] : memref<2048xf32, #tpu.memory_space<vmem>>[vector<16xi32>], vector<16xf32>,
        %parallel_loop3A_281 = arith.addf %parallel_loop3A_276, %parallel_loop3A_280 : vector<16xf32>
        %parallel_loop3A_282 = arith.constant 8 : i32
        %parallel_loop3A_283 = vector.broadcast %parallel_loop3A_282 : i32 to vector<16xi32>
        %parallel_loop3A_284 = arith.addi %parallel_loop3A_242, %parallel_loop3A_283 : vector<16xi32>
        %parallel_loop3A_285 = tpu.vector_load_idx %arg15[%parallel_loop3A_284] : memref<2048xf32, #tpu.memory_space<vmem>>[vector<16xi32>], vector<16xf32>,
        %parallel_loop3A_286 = arith.addf %parallel_loop3A_281, %parallel_loop3A_285 : vector<16xf32>
        %parallel_loop3A_287 = arith.constant 9 : i32
        %parallel_loop3A_288 = vector.broadcast %parallel_loop3A_287 : i32 to vector<16xi32>
        %parallel_loop3A_289 = arith.addi %parallel_loop3A_242, %parallel_loop3A_288 : vector<16xi32>
        %parallel_loop3A_290 = tpu.vector_load_idx %arg15[%parallel_loop3A_289] : memref<2048xf32, #tpu.memory_space<vmem>>[vector<16xi32>], vector<16xf32>,
        %parallel_loop3A_291 = arith.addf %parallel_loop3A_286, %parallel_loop3A_290 : vector<16xf32>
        %parallel_loop3A_292 = arith.constant 10 : i32
        %parallel_loop3A_293 = vector.broadcast %parallel_loop3A_292 : i32 to vector<16xi32>
        %parallel_loop3A_294 = arith.addi %parallel_loop3A_242, %parallel_loop3A_293 : vector<16xi32>
        %parallel_loop3A_295 = tpu.vector_load_idx %arg15[%parallel_loop3A_294] : memref<2048xf32, #tpu.memory_space<vmem>>[vector<16xi32>], vector<16xf32>,
        %parallel_loop3A_296 = arith.addf %parallel_loop3A_291, %parallel_loop3A_295 : vector<16xf32>
        %parallel_loop3A_297 = arith.constant 11 : i32
        %parallel_loop3A_298 = vector.broadcast %parallel_loop3A_297 : i32 to vector<16xi32>
        %parallel_loop3A_299 = arith.addi %parallel_loop3A_242, %parallel_loop3A_298 : vector<16xi32>
        %parallel_loop3A_300 = tpu.vector_load_idx %arg15[%parallel_loop3A_299] : memref<2048xf32, #tpu.memory_space<vmem>>[vector<16xi32>], vector<16xf32>,
        %parallel_loop3A_301 = arith.addf %parallel_loop3A_296, %parallel_loop3A_300 : vector<16xf32>
        %parallel_loop3A_302 = arith.constant 12 : i32
        %parallel_loop3A_303 = vector.broadcast %parallel_loop3A_302 : i32 to vector<16xi32>
        %parallel_loop3A_304 = arith.addi %parallel_loop3A_242, %parallel_loop3A_303 : vector<16xi32>
        %parallel_loop3A_305 = tpu.vector_load_idx %arg15[%parallel_loop3A_304] : memref<2048xf32, #tpu.memory_space<vmem>>[vector<16xi32>], vector<16xf32>,
        %parallel_loop3A_306 = arith.addf %parallel_loop3A_301, %parallel_loop3A_305 : vector<16xf32>
        %parallel_loop3A_307 = arith.constant 13 : i32
        %parallel_loop3A_308 = vector.broadcast %parallel_loop3A_307 : i32 to vector<16xi32>
        %parallel_loop3A_309 = arith.addi %parallel_loop3A_242, %parallel_loop3A_308 : vector<16xi32>
        %parallel_loop3A_310 = tpu.vector_load_idx %arg15[%parallel_loop3A_309] : memref<2048xf32, #tpu.memory_space<vmem>>[vector<16xi32>], vector<16xf32>,
        %parallel_loop3A_311 = arith.addf %parallel_loop3A_306, %parallel_loop3A_310 : vector<16xf32>
        %parallel_loop3A_312 = arith.constant 14 : i32
        %parallel_loop3A_313 = vector.broadcast %parallel_loop3A_312 : i32 to vector<16xi32>
        %parallel_loop3A_314 = arith.addi %parallel_loop3A_242, %parallel_loop3A_313 : vector<16xi32>
        %parallel_loop3A_315 = tpu.vector_load_idx %arg15[%parallel_loop3A_314] : memref<2048xf32, #tpu.memory_space<vmem>>[vector<16xi32>], vector<16xf32>,
        %parallel_loop3A_316 = arith.addf %parallel_loop3A_311, %parallel_loop3A_315 : vector<16xf32>
        %parallel_loop3A_317 = arith.constant 15 : i32
        %parallel_loop3A_318 = vector.broadcast %parallel_loop3A_317 : i32 to vector<16xi32>
        %parallel_loop3A_319 = arith.addi %parallel_loop3A_242, %parallel_loop3A_318 : vector<16xi32>
        %parallel_loop3A_320 = tpu.vector_load_idx %arg15[%parallel_loop3A_319] : memref<2048xf32, #tpu.memory_space<vmem>>[vector<16xi32>], vector<16xf32>,
        %parallel_loop3A_321 = arith.addf %parallel_loop3A_316, %parallel_loop3A_320 : vector<16xf32>
        %parallel_loop3A_322 = arith.constant 128 : i32
        %parallel_loop3A_323 = arith.muli %add3A_103, %parallel_loop3A_322 : i32
        %parallel_loop3A_324 = arith.constant 16 : i32
        %parallel_loop3A_325 = arith.muli %parallel_loop3A_235, %parallel_loop3A_324 : i32
        %parallel_loop3A_326 = arith.addi %parallel_loop3A_323, %parallel_loop3A_325 : i32
        %parallel_loop3A_327 = arith.index_cast %parallel_loop3A_326 : i32 to index
        %parallel_loop3A_328 = tpu.vector_load %arg16[%parallel_loop3A_327] {strides = array<i32>} : memref<8192xf32, #tpu.memory_space<vmem>>, vector<16xf32>,
        tpu.vector_store %arg16[%parallel_loop3A_327], %parallel_loop3A_321 {strides = array<i32>} : memref<8192xf32, #tpu.memory_space<vmem>>, vector<16xf32>,
      } {sc.loop_unroll_factor = 4 : i64, sc.parallel_access}
      %add3A_109 = arith.constant 1 : i32
      %add3A_110 = arith.addi %mul3A_69, %add3A_109 : i32
      %mul3A_111 = arith.constant 128 : i32
      %mul3A_112 = arith.muli %add3A_110, %mul3A_111 : i32
      %dma_wait3A_113 = tpu.memref_slice %arg5[%mul3A_112] : memref<8192xi32, #tpu.memory_space<vmem>> -> memref<128xi32, #tpu.memory_space<vmem>>
      %dma_wait3A_114 = arith.constant 0 : i32
      %dma_wait3A_115 = arith.constant 0 : i32
      %dma_wait3A_116 = tpu.memref_slice %arg3[%dma_wait3A_114, %dma_wait3A_115] : memref<200000x64xf32, #tpu.memory_space<hbm>> -> memref<200000x64xf32, #tpu.memory_space<hbm>>
      tpu.wait_indirect_dma semaphore(%arg18 : memref<!tpu.dma_semaphore, #tpu.memory_space<semaphore_mem>>) src(%dma_wait3A_116 : memref<200000x64xf32, #tpu.memory_space<hbm>>) dst(%arg9 : memref<128x64xf32, #tpu.memory_space<vmem>>)
      %mul3A_117 = arith.constant 128 : i32
      %mul3A_118 = arith.muli %add3A_110, %mul3A_117 : i32
      %dma_wait3A_119 = tpu.memref_slice %arg6[%mul3A_118] : memref<8192xi32, #tpu.memory_space<vmem>> -> memref<128xi32, #tpu.memory_space<vmem>>
      %dma_wait3A_120 = arith.constant 0 : i32
      %dma_wait3A_121 = arith.constant 0 : i32
      %dma_wait3A_122 = tpu.memref_slice %arg3[%dma_wait3A_120, %dma_wait3A_121] : memref<200000x64xf32, #tpu.memory_space<hbm>> -> memref<200000x64xf32, #tpu.memory_space<hbm>>
      tpu.wait_indirect_dma semaphore(%arg18 : memref<!tpu.dma_semaphore, #tpu.memory_space<semaphore_mem>>) src(%dma_wait3A_122 : memref<200000x64xf32, #tpu.memory_space<hbm>>) dst(%arg10 : memref<128x64xf32, #tpu.memory_space<vmem>>)
      %add3A_123 = arith.constant 1 : i32
      %add3A_124 = arith.addi %mul3A_69, %add3A_123 : i32
      %add3A_125 = arith.constant 4 : i32
      %add3A_126 = arith.addi %add3A_124, %add3A_125 : i32
      %sub3A_127 = arith.constant 1 : i32
      %sub3A_128 = arith.subi %add3A_126, %sub3A_127 : i32
      %rem3A_129 = arith.constant 64 : i32
      %rem3A_130 = arith.remsi %sub3A_128, %rem3A_129 : i32
      %mul3A_131 = arith.constant 128 : i32
      %mul3A_132 = arith.muli %rem3A_130, %mul3A_131 : i32
      %dma_start3A_133 = tpu.memref_slice %arg5[%mul3A_132] : memref<8192xi32, #tpu.memory_space<vmem>> -> memref<128xi32, #tpu.memory_space<vmem>>
      %dma_start3A_134 = arith.constant 0 : i32
      %dma_start3A_135 = arith.constant 0 : i32
      %dma_start3A_136 = tpu.memref_slice %arg3[%dma_start3A_134, %dma_start3A_135] : memref<200000x64xf32, #tpu.memory_space<hbm>> -> memref<200000x64xf32, #tpu.memory_space<hbm>>
      tpu.enqueue_indirect_dma source(%dma_start3A_136 : memref<200000x64xf32, #tpu.memory_space<hbm>>) target(%arg7 : memref<128x64xf32, #tpu.memory_space<vmem>>) offsets(%dma_start3A_133 : memref<128xi32, #tpu.memory_space<vmem>>) semaphore(%arg17 : memref<!tpu.dma_semaphore, #tpu.memory_space<semaphore_mem>>)
      %mul3A_137 = arith.constant 128 : i32
      %mul3A_138 = arith.muli %rem3A_130, %mul3A_137 : i32
      %dma_start3A_139 = tpu.memref_slice %arg6[%mul3A_138] : memref<8192xi32, #tpu.memory_space<vmem>> -> memref<128xi32, #tpu.memory_space<vmem>>
      %dma_start3A_140 = arith.constant 0 : i32
      %dma_start3A_141 = arith.constant 0 : i32
      %dma_start3A_142 = tpu.memref_slice %arg3[%dma_start3A_140, %dma_start3A_141] : memref<200000x64xf32, #tpu.memory_space<hbm>> -> memref<200000x64xf32, #tpu.memory_space<hbm>>
      tpu.enqueue_indirect_dma source(%dma_start3A_142 : memref<200000x64xf32, #tpu.memory_space<hbm>>) target(%arg8 : memref<128x64xf32, #tpu.memory_space<vmem>>) offsets(%dma_start3A_139 : memref<128xi32, #tpu.memory_space<vmem>>) semaphore(%arg17 : memref<!tpu.dma_semaphore, #tpu.memory_space<semaphore_mem>>)
      %add3A_143 = arith.constant 1 : i32
      %add3A_144 = arith.addi %mul3A_69, %add3A_143 : i32
      %parallel_loop3A_145 = arith.constant 0 : i32
      %parallel_loop3A_146 = arith.constant 128 : i32
      %parallel_loop3A_147 = arith.constant 1 : i32
      scf.for %parallel_loop3A_235 = %parallel_loop3A_145 to %parallel_loop3A_146 step %parallel_loop3A_147  : i32 {
        %parallel_loop3A_236 = arith.index_cast %parallel_loop3A_235 : i32 to index
        %parallel_loop3A_237 = arith.constant 0 : index
        %parallel_loop3A_238 = tpu.vector_load %arg9[%parallel_loop3A_236, %parallel_loop3A_237] {strides = array<i32>} : memref<128x64xf32, #tpu.memory_space<vmem>>, vector<16xf32>,
        %parallel_loop3A_239 = arith.index_cast %parallel_loop3A_235 : i32 to index
        %parallel_loop3A_240 = arith.constant 0 : index
        %parallel_loop3A_241 = tpu.vector_load %arg10[%parallel_loop3A_239, %parallel_loop3A_240] {strides = array<i32>} : memref<128x64xf32, #tpu.memory_space<vmem>>, vector<16xf32>,
        %parallel_loop3A_242 = arith.mulf %parallel_loop3A_238, %parallel_loop3A_241 : vector<16xf32>
        %parallel_loop3A_243 = arith.index_cast %parallel_loop3A_235 : i32 to index
        %parallel_loop3A_244 = arith.constant 16 : index
        %parallel_loop3A_245 = tpu.vector_load %arg9[%parallel_loop3A_243, %parallel_loop3A_244] {strides = array<i32>} : memref<128x64xf32, #tpu.memory_space<vmem>>, vector<16xf32>,
        %parallel_loop3A_246 = arith.index_cast %parallel_loop3A_235 : i32 to index
        %parallel_loop3A_247 = arith.constant 16 : index
        %parallel_loop3A_248 = tpu.vector_load %arg10[%parallel_loop3A_246, %parallel_loop3A_247] {strides = array<i32>} : memref<128x64xf32, #tpu.memory_space<vmem>>, vector<16xf32>,
        %parallel_loop3A_249 = arith.mulf %parallel_loop3A_245, %parallel_loop3A_248 : vector<16xf32>
        %parallel_loop3A_250 = arith.addf %parallel_loop3A_242, %parallel_loop3A_249 : vector<16xf32>
        %parallel_loop3A_251 = arith.index_cast %parallel_loop3A_235 : i32 to index
        %parallel_loop3A_252 = arith.constant 32 : index
        %parallel_loop3A_253 = tpu.vector_load %arg9[%parallel_loop3A_251, %parallel_loop3A_252] {strides = array<i32>} : memref<128x64xf32, #tpu.memory_space<vmem>>, vector<16xf32>,
        %parallel_loop3A_254 = arith.index_cast %parallel_loop3A_235 : i32 to index
        %parallel_loop3A_255 = arith.constant 32 : index
        %parallel_loop3A_256 = tpu.vector_load %arg10[%parallel_loop3A_254, %parallel_loop3A_255] {strides = array<i32>} : memref<128x64xf32, #tpu.memory_space<vmem>>, vector<16xf32>,
        %parallel_loop3A_257 = arith.mulf %parallel_loop3A_253, %parallel_loop3A_256 : vector<16xf32>
        %parallel_loop3A_258 = arith.addf %parallel_loop3A_250, %parallel_loop3A_257 : vector<16xf32>
        %parallel_loop3A_259 = arith.index_cast %parallel_loop3A_235 : i32 to index
        %parallel_loop3A_260 = arith.constant 48 : index
        %parallel_loop3A_261 = tpu.vector_load %arg9[%parallel_loop3A_259, %parallel_loop3A_260] {strides = array<i32>} : memref<128x64xf32, #tpu.memory_space<vmem>>, vector<16xf32>,
        %parallel_loop3A_262 = arith.index_cast %parallel_loop3A_235 : i32 to index
        %parallel_loop3A_263 = arith.constant 48 : index
        %parallel_loop3A_264 = tpu.vector_load %arg10[%parallel_loop3A_262, %parallel_loop3A_263] {strides = array<i32>} : memref<128x64xf32, #tpu.memory_space<vmem>>, vector<16xf32>,
        %parallel_loop3A_265 = arith.mulf %parallel_loop3A_261, %parallel_loop3A_264 : vector<16xf32>
        %parallel_loop3A_266 = arith.addf %parallel_loop3A_258, %parallel_loop3A_265 : vector<16xf32>
        %parallel_loop3A_267 = arith.constant 16 : i32
        %parallel_loop3A_268 = arith.muli %parallel_loop3A_235, %parallel_loop3A_267 : i32
        %parallel_loop3A_269 = arith.index_cast %parallel_loop3A_268 : i32 to index
        %parallel_loop3A_270 = tpu.vector_load %arg15[%parallel_loop3A_269] {strides = array<i32>} : memref<2048xf32, #tpu.memory_space<vmem>>, vector<16xf32>,
        tpu.vector_store %arg15[%parallel_loop3A_269], %parallel_loop3A_266 {strides = array<i32>} : memref<2048xf32, #tpu.memory_space<vmem>>, vector<16xf32>,
      } {sc.loop_unroll_factor = 8 : i64, sc.parallel_access}
      %parallel_loop3A_148 = arith.constant 0 : i32
      %parallel_loop3A_149 = arith.constant 8 : i32
      %parallel_loop3A_150 = arith.constant 1 : i32
      scf.for %parallel_loop3A_235 = %parallel_loop3A_148 to %parallel_loop3A_149 step %parallel_loop3A_150  : i32 {
        %parallel_loop3A_236 = arith.constant 16 : i32
        %parallel_loop3A_237 = arith.muli %parallel_loop3A_235, %parallel_loop3A_236 : i32
        %parallel_loop3A_238 = vector.broadcast %parallel_loop3A_237 : i32 to vector<16xi32>
        %parallel_loop3A_239 = arith.addi %iota3A, %parallel_loop3A_238 : vector<16xi32>
        %parallel_loop3A_240 = arith.constant 16 : i32
        %parallel_loop3A_241 = vector.broadcast %parallel_loop3A_240 : i32 to vector<16xi32>
        %parallel_loop3A_242 = arith.muli %parallel_loop3A_239, %parallel_loop3A_241 : vector<16xi32>
        %parallel_loop3A_243 = arith.constant 0 : i32
        %parallel_loop3A_244 = vector.broadcast %parallel_loop3A_243 : i32 to vector<16xi32>
        %parallel_loop3A_245 = arith.addi %parallel_loop3A_242, %parallel_loop3A_244 : vector<16xi32>
        %parallel_loop3A_246 = tpu.vector_load_idx %arg15[%parallel_loop3A_245] : memref<2048xf32, #tpu.memory_space<vmem>>[vector<16xi32>], vector<16xf32>,
        %parallel_loop3A_247 = arith.constant 1 : i32
        %parallel_loop3A_248 = vector.broadcast %parallel_loop3A_247 : i32 to vector<16xi32>
        %parallel_loop3A_249 = arith.addi %parallel_loop3A_242, %parallel_loop3A_248 : vector<16xi32>
        %parallel_loop3A_250 = tpu.vector_load_idx %arg15[%parallel_loop3A_249] : memref<2048xf32, #tpu.memory_space<vmem>>[vector<16xi32>], vector<16xf32>,
        %parallel_loop3A_251 = arith.addf %parallel_loop3A_246, %parallel_loop3A_250 : vector<16xf32>
        %parallel_loop3A_252 = arith.constant 2 : i32
        %parallel_loop3A_253 = vector.broadcast %parallel_loop3A_252 : i32 to vector<16xi32>
        %parallel_loop3A_254 = arith.addi %parallel_loop3A_242, %parallel_loop3A_253 : vector<16xi32>
        %parallel_loop3A_255 = tpu.vector_load_idx %arg15[%parallel_loop3A_254] : memref<2048xf32, #tpu.memory_space<vmem>>[vector<16xi32>], vector<16xf32>,
        %parallel_loop3A_256 = arith.addf %parallel_loop3A_251, %parallel_loop3A_255 : vector<16xf32>
        %parallel_loop3A_257 = arith.constant 3 : i32
        %parallel_loop3A_258 = vector.broadcast %parallel_loop3A_257 : i32 to vector<16xi32>
        %parallel_loop3A_259 = arith.addi %parallel_loop3A_242, %parallel_loop3A_258 : vector<16xi32>
        %parallel_loop3A_260 = tpu.vector_load_idx %arg15[%parallel_loop3A_259] : memref<2048xf32, #tpu.memory_space<vmem>>[vector<16xi32>], vector<16xf32>,
        %parallel_loop3A_261 = arith.addf %parallel_loop3A_256, %parallel_loop3A_260 : vector<16xf32>
        %parallel_loop3A_262 = arith.constant 4 : i32
        %parallel_loop3A_263 = vector.broadcast %parallel_loop3A_262 : i32 to vector<16xi32>
        %parallel_loop3A_264 = arith.addi %parallel_loop3A_242, %parallel_loop3A_263 : vector<16xi32>
        %parallel_loop3A_265 = tpu.vector_load_idx %arg15[%parallel_loop3A_264] : memref<2048xf32, #tpu.memory_space<vmem>>[vector<16xi32>], vector<16xf32>,
        %parallel_loop3A_266 = arith.addf %parallel_loop3A_261, %parallel_loop3A_265 : vector<16xf32>
        %parallel_loop3A_267 = arith.constant 5 : i32
        %parallel_loop3A_268 = vector.broadcast %parallel_loop3A_267 : i32 to vector<16xi32>
        %parallel_loop3A_269 = arith.addi %parallel_loop3A_242, %parallel_loop3A_268 : vector<16xi32>
        %parallel_loop3A_270 = tpu.vector_load_idx %arg15[%parallel_loop3A_269] : memref<2048xf32, #tpu.memory_space<vmem>>[vector<16xi32>], vector<16xf32>,
        %parallel_loop3A_271 = arith.addf %parallel_loop3A_266, %parallel_loop3A_270 : vector<16xf32>
        %parallel_loop3A_272 = arith.constant 6 : i32
        %parallel_loop3A_273 = vector.broadcast %parallel_loop3A_272 : i32 to vector<16xi32>
        %parallel_loop3A_274 = arith.addi %parallel_loop3A_242, %parallel_loop3A_273 : vector<16xi32>
        %parallel_loop3A_275 = tpu.vector_load_idx %arg15[%parallel_loop3A_274] : memref<2048xf32, #tpu.memory_space<vmem>>[vector<16xi32>], vector<16xf32>,
        %parallel_loop3A_276 = arith.addf %parallel_loop3A_271, %parallel_loop3A_275 : vector<16xf32>
        %parallel_loop3A_277 = arith.constant 7 : i32
        %parallel_loop3A_278 = vector.broadcast %parallel_loop3A_277 : i32 to vector<16xi32>
        %parallel_loop3A_279 = arith.addi %parallel_loop3A_242, %parallel_loop3A_278 : vector<16xi32>
        %parallel_loop3A_280 = tpu.vector_load_idx %arg15[%parallel_loop3A_279] : memref<2048xf32, #tpu.memory_space<vmem>>[vector<16xi32>], vector<16xf32>,
        %parallel_loop3A_281 = arith.addf %parallel_loop3A_276, %parallel_loop3A_280 : vector<16xf32>
        %parallel_loop3A_282 = arith.constant 8 : i32
        %parallel_loop3A_283 = vector.broadcast %parallel_loop3A_282 : i32 to vector<16xi32>
        %parallel_loop3A_284 = arith.addi %parallel_loop3A_242, %parallel_loop3A_283 : vector<16xi32>
        %parallel_loop3A_285 = tpu.vector_load_idx %arg15[%parallel_loop3A_284] : memref<2048xf32, #tpu.memory_space<vmem>>[vector<16xi32>], vector<16xf32>,
        %parallel_loop3A_286 = arith.addf %parallel_loop3A_281, %parallel_loop3A_285 : vector<16xf32>
        %parallel_loop3A_287 = arith.constant 9 : i32
        %parallel_loop3A_288 = vector.broadcast %parallel_loop3A_287 : i32 to vector<16xi32>
        %parallel_loop3A_289 = arith.addi %parallel_loop3A_242, %parallel_loop3A_288 : vector<16xi32>
        %parallel_loop3A_290 = tpu.vector_load_idx %arg15[%parallel_loop3A_289] : memref<2048xf32, #tpu.memory_space<vmem>>[vector<16xi32>], vector<16xf32>,
        %parallel_loop3A_291 = arith.addf %parallel_loop3A_286, %parallel_loop3A_290 : vector<16xf32>
        %parallel_loop3A_292 = arith.constant 10 : i32
        %parallel_loop3A_293 = vector.broadcast %parallel_loop3A_292 : i32 to vector<16xi32>
        %parallel_loop3A_294 = arith.addi %parallel_loop3A_242, %parallel_loop3A_293 : vector<16xi32>
        %parallel_loop3A_295 = tpu.vector_load_idx %arg15[%parallel_loop3A_294] : memref<2048xf32, #tpu.memory_space<vmem>>[vector<16xi32>], vector<16xf32>,
        %parallel_loop3A_296 = arith.addf %parallel_loop3A_291, %parallel_loop3A_295 : vector<16xf32>
        %parallel_loop3A_297 = arith.constant 11 : i32
        %parallel_loop3A_298 = vector.broadcast %parallel_loop3A_297 : i32 to vector<16xi32>
        %parallel_loop3A_299 = arith.addi %parallel_loop3A_242, %parallel_loop3A_298 : vector<16xi32>
        %parallel_loop3A_300 = tpu.vector_load_idx %arg15[%parallel_loop3A_299] : memref<2048xf32, #tpu.memory_space<vmem>>[vector<16xi32>], vector<16xf32>,
        %parallel_loop3A_301 = arith.addf %parallel_loop3A_296, %parallel_loop3A_300 : vector<16xf32>
        %parallel_loop3A_302 = arith.constant 12 : i32
        %parallel_loop3A_303 = vector.broadcast %parallel_loop3A_302 : i32 to vector<16xi32>
        %parallel_loop3A_304 = arith.addi %parallel_loop3A_242, %parallel_loop3A_303 : vector<16xi32>
        %parallel_loop3A_305 = tpu.vector_load_idx %arg15[%parallel_loop3A_304] : memref<2048xf32, #tpu.memory_space<vmem>>[vector<16xi32>], vector<16xf32>,
        %parallel_loop3A_306 = arith.addf %parallel_loop3A_301, %parallel_loop3A_305 : vector<16xf32>
        %parallel_loop3A_307 = arith.constant 13 : i32
        %parallel_loop3A_308 = vector.broadcast %parallel_loop3A_307 : i32 to vector<16xi32>
        %parallel_loop3A_309 = arith.addi %parallel_loop3A_242, %parallel_loop3A_308 : vector<16xi32>
        %parallel_loop3A_310 = tpu.vector_load_idx %arg15[%parallel_loop3A_309] : memref<2048xf32, #tpu.memory_space<vmem>>[vector<16xi32>], vector<16xf32>,
        %parallel_loop3A_311 = arith.addf %parallel_loop3A_306, %parallel_loop3A_310 : vector<16xf32>
        %parallel_loop3A_312 = arith.constant 14 : i32
        %parallel_loop3A_313 = vector.broadcast %parallel_loop3A_312 : i32 to vector<16xi32>
        %parallel_loop3A_314 = arith.addi %parallel_loop3A_242, %parallel_loop3A_313 : vector<16xi32>
        %parallel_loop3A_315 = tpu.vector_load_idx %arg15[%parallel_loop3A_314] : memref<2048xf32, #tpu.memory_space<vmem>>[vector<16xi32>], vector<16xf32>,
        %parallel_loop3A_316 = arith.addf %parallel_loop3A_311, %parallel_loop3A_315 : vector<16xf32>
        %parallel_loop3A_317 = arith.constant 15 : i32
        %parallel_loop3A_318 = vector.broadcast %parallel_loop3A_317 : i32 to vector<16xi32>
        %parallel_loop3A_319 = arith.addi %parallel_loop3A_242, %parallel_loop3A_318 : vector<16xi32>
        %parallel_loop3A_320 = tpu.vector_load_idx %arg15[%parallel_loop3A_319] : memref<2048xf32, #tpu.memory_space<vmem>>[vector<16xi32>], vector<16xf32>,
        %parallel_loop3A_321 = arith.addf %parallel_loop3A_316, %parallel_loop3A_320 : vector<16xf32>
        %parallel_loop3A_322 = arith.constant 128 : i32
        %parallel_loop3A_323 = arith.muli %add3A_144, %parallel_loop3A_322 : i32
        %parallel_loop3A_324 = arith.constant 16 : i32
        %parallel_loop3A_325 = arith.muli %parallel_loop3A_235, %parallel_loop3A_324 : i32
        %parallel_loop3A_326 = arith.addi %parallel_loop3A_323, %parallel_loop3A_325 : i32
        %parallel_loop3A_327 = arith.index_cast %parallel_loop3A_326 : i32 to index
        %parallel_loop3A_328 = tpu.vector_load %arg16[%parallel_loop3A_327] {strides = array<i32>} : memref<8192xf32, #tpu.memory_space<vmem>>, vector<16xf32>,
        tpu.vector_store %arg16[%parallel_loop3A_327], %parallel_loop3A_321 {strides = array<i32>} : memref<8192xf32, #tpu.memory_space<vmem>>, vector<16xf32>,
      } {sc.loop_unroll_factor = 4 : i64, sc.parallel_access}
      %add3A_151 = arith.constant 2 : i32
      %add3A_152 = arith.addi %mul3A_69, %add3A_151 : i32
      %mul3A_153 = arith.constant 128 : i32
      %mul3A_154 = arith.muli %add3A_152, %mul3A_153 : i32
      %dma_wait3A_155 = tpu.memref_slice %arg5[%mul3A_154] : memref<8192xi32, #tpu.memory_space<vmem>> -> memref<128xi32, #tpu.memory_space<vmem>>
      %dma_wait3A_156 = arith.constant 0 : i32
      %dma_wait3A_157 = arith.constant 0 : i32
      %dma_wait3A_158 = tpu.memref_slice %arg3[%dma_wait3A_156, %dma_wait3A_157] : memref<200000x64xf32, #tpu.memory_space<hbm>> -> memref<200000x64xf32, #tpu.memory_space<hbm>>
      tpu.wait_indirect_dma semaphore(%arg19 : memref<!tpu.dma_semaphore, #tpu.memory_space<semaphore_mem>>) src(%dma_wait3A_158 : memref<200000x64xf32, #tpu.memory_space<hbm>>) dst(%arg11 : memref<128x64xf32, #tpu.memory_space<vmem>>)
      %mul3A_159 = arith.constant 128 : i32
      %mul3A_160 = arith.muli %add3A_152, %mul3A_159 : i32
      %dma_wait3A_161 = tpu.memref_slice %arg6[%mul3A_160] : memref<8192xi32, #tpu.memory_space<vmem>> -> memref<128xi32, #tpu.memory_space<vmem>>
      %dma_wait3A_162 = arith.constant 0 : i32
      %dma_wait3A_163 = arith.constant 0 : i32
      %dma_wait3A_164 = tpu.memref_slice %arg3[%dma_wait3A_162, %dma_wait3A_163] : memref<200000x64xf32, #tpu.memory_space<hbm>> -> memref<200000x64xf32, #tpu.memory_space<hbm>>
      tpu.wait_indirect_dma semaphore(%arg19 : memref<!tpu.dma_semaphore, #tpu.memory_space<semaphore_mem>>) src(%dma_wait3A_164 : memref<200000x64xf32, #tpu.memory_space<hbm>>) dst(%arg12 : memref<128x64xf32, #tpu.memory_space<vmem>>)
      %add3A_165 = arith.constant 2 : i32
      %add3A_166 = arith.addi %mul3A_69, %add3A_165 : i32
      %add3A_167 = arith.constant 4 : i32
      %add3A_168 = arith.addi %add3A_166, %add3A_167 : i32
      %sub3A_169 = arith.constant 1 : i32
      %sub3A_170 = arith.subi %add3A_168, %sub3A_169 : i32
      %rem3A_171 = arith.constant 64 : i32
      %rem3A_172 = arith.remsi %sub3A_170, %rem3A_171 : i32
      %mul3A_173 = arith.constant 128 : i32
      %mul3A_174 = arith.muli %rem3A_172, %mul3A_173 : i32
      %dma_start3A_175 = tpu.memref_slice %arg5[%mul3A_174] : memref<8192xi32, #tpu.memory_space<vmem>> -> memref<128xi32, #tpu.memory_space<vmem>>
      %dma_start3A_176 = arith.constant 0 : i32
      %dma_start3A_177 = arith.constant 0 : i32
      %dma_start3A_178 = tpu.memref_slice %arg3[%dma_start3A_176, %dma_start3A_177] : memref<200000x64xf32, #tpu.memory_space<hbm>> -> memref<200000x64xf32, #tpu.memory_space<hbm>>
      tpu.enqueue_indirect_dma source(%dma_start3A_178 : memref<200000x64xf32, #tpu.memory_space<hbm>>) target(%arg9 : memref<128x64xf32, #tpu.memory_space<vmem>>) offsets(%dma_start3A_175 : memref<128xi32, #tpu.memory_space<vmem>>) semaphore(%arg18 : memref<!tpu.dma_semaphore, #tpu.memory_space<semaphore_mem>>)
      %mul3A_179 = arith.constant 128 : i32
      %mul3A_180 = arith.muli %rem3A_172, %mul3A_179 : i32
      %dma_start3A_181 = tpu.memref_slice %arg6[%mul3A_180] : memref<8192xi32, #tpu.memory_space<vmem>> -> memref<128xi32, #tpu.memory_space<vmem>>
      %dma_start3A_182 = arith.constant 0 : i32
      %dma_start3A_183 = arith.constant 0 : i32
      %dma_start3A_184 = tpu.memref_slice %arg3[%dma_start3A_182, %dma_start3A_183] : memref<200000x64xf32, #tpu.memory_space<hbm>> -> memref<200000x64xf32, #tpu.memory_space<hbm>>
      tpu.enqueue_indirect_dma source(%dma_start3A_184 : memref<200000x64xf32, #tpu.memory_space<hbm>>) target(%arg10 : memref<128x64xf32, #tpu.memory_space<vmem>>) offsets(%dma_start3A_181 : memref<128xi32, #tpu.memory_space<vmem>>) semaphore(%arg18 : memref<!tpu.dma_semaphore, #tpu.memory_space<semaphore_mem>>)
      %add3A_185 = arith.constant 2 : i32
      %add3A_186 = arith.addi %mul3A_69, %add3A_185 : i32
      %parallel_loop3A_187 = arith.constant 0 : i32
      %parallel_loop3A_188 = arith.constant 128 : i32
      %parallel_loop3A_189 = arith.constant 1 : i32
      scf.for %parallel_loop3A_235 = %parallel_loop3A_187 to %parallel_loop3A_188 step %parallel_loop3A_189  : i32 {
        %parallel_loop3A_236 = arith.index_cast %parallel_loop3A_235 : i32 to index
        %parallel_loop3A_237 = arith.constant 0 : index
        %parallel_loop3A_238 = tpu.vector_load %arg11[%parallel_loop3A_236, %parallel_loop3A_237] {strides = array<i32>} : memref<128x64xf32, #tpu.memory_space<vmem>>, vector<16xf32>,
        %parallel_loop3A_239 = arith.index_cast %parallel_loop3A_235 : i32 to index
        %parallel_loop3A_240 = arith.constant 0 : index
        %parallel_loop3A_241 = tpu.vector_load %arg12[%parallel_loop3A_239, %parallel_loop3A_240] {strides = array<i32>} : memref<128x64xf32, #tpu.memory_space<vmem>>, vector<16xf32>,
        %parallel_loop3A_242 = arith.mulf %parallel_loop3A_238, %parallel_loop3A_241 : vector<16xf32>
        %parallel_loop3A_243 = arith.index_cast %parallel_loop3A_235 : i32 to index
        %parallel_loop3A_244 = arith.constant 16 : index
        %parallel_loop3A_245 = tpu.vector_load %arg11[%parallel_loop3A_243, %parallel_loop3A_244] {strides = array<i32>} : memref<128x64xf32, #tpu.memory_space<vmem>>, vector<16xf32>,
        %parallel_loop3A_246 = arith.index_cast %parallel_loop3A_235 : i32 to index
        %parallel_loop3A_247 = arith.constant 16 : index
        %parallel_loop3A_248 = tpu.vector_load %arg12[%parallel_loop3A_246, %parallel_loop3A_247] {strides = array<i32>} : memref<128x64xf32, #tpu.memory_space<vmem>>, vector<16xf32>,
        %parallel_loop3A_249 = arith.mulf %parallel_loop3A_245, %parallel_loop3A_248 : vector<16xf32>
        %parallel_loop3A_250 = arith.addf %parallel_loop3A_242, %parallel_loop3A_249 : vector<16xf32>
        %parallel_loop3A_251 = arith.index_cast %parallel_loop3A_235 : i32 to index
        %parallel_loop3A_252 = arith.constant 32 : index
        %parallel_loop3A_253 = tpu.vector_load %arg11[%parallel_loop3A_251, %parallel_loop3A_252] {strides = array<i32>} : memref<128x64xf32, #tpu.memory_space<vmem>>, vector<16xf32>,
        %parallel_loop3A_254 = arith.index_cast %parallel_loop3A_235 : i32 to index
        %parallel_loop3A_255 = arith.constant 32 : index
        %parallel_loop3A_256 = tpu.vector_load %arg12[%parallel_loop3A_254, %parallel_loop3A_255] {strides = array<i32>} : memref<128x64xf32, #tpu.memory_space<vmem>>, vector<16xf32>,
        %parallel_loop3A_257 = arith.mulf %parallel_loop3A_253, %parallel_loop3A_256 : vector<16xf32>
        %parallel_loop3A_258 = arith.addf %parallel_loop3A_250, %parallel_loop3A_257 : vector<16xf32>
        %parallel_loop3A_259 = arith.index_cast %parallel_loop3A_235 : i32 to index
        %parallel_loop3A_260 = arith.constant 48 : index
        %parallel_loop3A_261 = tpu.vector_load %arg11[%parallel_loop3A_259, %parallel_loop3A_260] {strides = array<i32>} : memref<128x64xf32, #tpu.memory_space<vmem>>, vector<16xf32>,
        %parallel_loop3A_262 = arith.index_cast %parallel_loop3A_235 : i32 to index
        %parallel_loop3A_263 = arith.constant 48 : index
        %parallel_loop3A_264 = tpu.vector_load %arg12[%parallel_loop3A_262, %parallel_loop3A_263] {strides = array<i32>} : memref<128x64xf32, #tpu.memory_space<vmem>>, vector<16xf32>,
        %parallel_loop3A_265 = arith.mulf %parallel_loop3A_261, %parallel_loop3A_264 : vector<16xf32>
        %parallel_loop3A_266 = arith.addf %parallel_loop3A_258, %parallel_loop3A_265 : vector<16xf32>
        %parallel_loop3A_267 = arith.constant 16 : i32
        %parallel_loop3A_268 = arith.muli %parallel_loop3A_235, %parallel_loop3A_267 : i32
        %parallel_loop3A_269 = arith.index_cast %parallel_loop3A_268 : i32 to index
        %parallel_loop3A_270 = tpu.vector_load %arg15[%parallel_loop3A_269] {strides = array<i32>} : memref<2048xf32, #tpu.memory_space<vmem>>, vector<16xf32>,
        tpu.vector_store %arg15[%parallel_loop3A_269], %parallel_loop3A_266 {strides = array<i32>} : memref<2048xf32, #tpu.memory_space<vmem>>, vector<16xf32>,
      } {sc.loop_unroll_factor = 8 : i64, sc.parallel_access}
      %parallel_loop3A_190 = arith.constant 0 : i32
      %parallel_loop3A_191 = arith.constant 8 : i32
      %parallel_loop3A_192 = arith.constant 1 : i32
      scf.for %parallel_loop3A_235 = %parallel_loop3A_190 to %parallel_loop3A_191 step %parallel_loop3A_192  : i32 {
        %parallel_loop3A_236 = arith.constant 16 : i32
        %parallel_loop3A_237 = arith.muli %parallel_loop3A_235, %parallel_loop3A_236 : i32
        %parallel_loop3A_238 = vector.broadcast %parallel_loop3A_237 : i32 to vector<16xi32>
        %parallel_loop3A_239 = arith.addi %iota3A, %parallel_loop3A_238 : vector<16xi32>
        %parallel_loop3A_240 = arith.constant 16 : i32
        %parallel_loop3A_241 = vector.broadcast %parallel_loop3A_240 : i32 to vector<16xi32>
        %parallel_loop3A_242 = arith.muli %parallel_loop3A_239, %parallel_loop3A_241 : vector<16xi32>
        %parallel_loop3A_243 = arith.constant 0 : i32
        %parallel_loop3A_244 = vector.broadcast %parallel_loop3A_243 : i32 to vector<16xi32>
        %parallel_loop3A_245 = arith.addi %parallel_loop3A_242, %parallel_loop3A_244 : vector<16xi32>
        %parallel_loop3A_246 = tpu.vector_load_idx %arg15[%parallel_loop3A_245] : memref<2048xf32, #tpu.memory_space<vmem>>[vector<16xi32>], vector<16xf32>,
        %parallel_loop3A_247 = arith.constant 1 : i32
        %parallel_loop3A_248 = vector.broadcast %parallel_loop3A_247 : i32 to vector<16xi32>
        %parallel_loop3A_249 = arith.addi %parallel_loop3A_242, %parallel_loop3A_248 : vector<16xi32>
        %parallel_loop3A_250 = tpu.vector_load_idx %arg15[%parallel_loop3A_249] : memref<2048xf32, #tpu.memory_space<vmem>>[vector<16xi32>], vector<16xf32>,
        %parallel_loop3A_251 = arith.addf %parallel_loop3A_246, %parallel_loop3A_250 : vector<16xf32>
        %parallel_loop3A_252 = arith.constant 2 : i32
        %parallel_loop3A_253 = vector.broadcast %parallel_loop3A_252 : i32 to vector<16xi32>
        %parallel_loop3A_254 = arith.addi %parallel_loop3A_242, %parallel_loop3A_253 : vector<16xi32>
        %parallel_loop3A_255 = tpu.vector_load_idx %arg15[%parallel_loop3A_254] : memref<2048xf32, #tpu.memory_space<vmem>>[vector<16xi32>], vector<16xf32>,
        %parallel_loop3A_256 = arith.addf %parallel_loop3A_251, %parallel_loop3A_255 : vector<16xf32>
        %parallel_loop3A_257 = arith.constant 3 : i32
        %parallel_loop3A_258 = vector.broadcast %parallel_loop3A_257 : i32 to vector<16xi32>
        %parallel_loop3A_259 = arith.addi %parallel_loop3A_242, %parallel_loop3A_258 : vector<16xi32>
        %parallel_loop3A_260 = tpu.vector_load_idx %arg15[%parallel_loop3A_259] : memref<2048xf32, #tpu.memory_space<vmem>>[vector<16xi32>], vector<16xf32>,
        %parallel_loop3A_261 = arith.addf %parallel_loop3A_256, %parallel_loop3A_260 : vector<16xf32>
        %parallel_loop3A_262 = arith.constant 4 : i32
        %parallel_loop3A_263 = vector.broadcast %parallel_loop3A_262 : i32 to vector<16xi32>
        %parallel_loop3A_264 = arith.addi %parallel_loop3A_242, %parallel_loop3A_263 : vector<16xi32>
        %parallel_loop3A_265 = tpu.vector_load_idx %arg15[%parallel_loop3A_264] : memref<2048xf32, #tpu.memory_space<vmem>>[vector<16xi32>], vector<16xf32>,
        %parallel_loop3A_266 = arith.addf %parallel_loop3A_261, %parallel_loop3A_265 : vector<16xf32>
        %parallel_loop3A_267 = arith.constant 5 : i32
        %parallel_loop3A_268 = vector.broadcast %parallel_loop3A_267 : i32 to vector<16xi32>
        %parallel_loop3A_269 = arith.addi %parallel_loop3A_242, %parallel_loop3A_268 : vector<16xi32>
        %parallel_loop3A_270 = tpu.vector_load_idx %arg15[%parallel_loop3A_269] : memref<2048xf32, #tpu.memory_space<vmem>>[vector<16xi32>], vector<16xf32>,
        %parallel_loop3A_271 = arith.addf %parallel_loop3A_266, %parallel_loop3A_270 : vector<16xf32>
        %parallel_loop3A_272 = arith.constant 6 : i32
        %parallel_loop3A_273 = vector.broadcast %parallel_loop3A_272 : i32 to vector<16xi32>
        %parallel_loop3A_274 = arith.addi %parallel_loop3A_242, %parallel_loop3A_273 : vector<16xi32>
        %parallel_loop3A_275 = tpu.vector_load_idx %arg15[%parallel_loop3A_274] : memref<2048xf32, #tpu.memory_space<vmem>>[vector<16xi32>], vector<16xf32>,
        %parallel_loop3A_276 = arith.addf %parallel_loop3A_271, %parallel_loop3A_275 : vector<16xf32>
        %parallel_loop3A_277 = arith.constant 7 : i32
        %parallel_loop3A_278 = vector.broadcast %parallel_loop3A_277 : i32 to vector<16xi32>
        %parallel_loop3A_279 = arith.addi %parallel_loop3A_242, %parallel_loop3A_278 : vector<16xi32>
        %parallel_loop3A_280 = tpu.vector_load_idx %arg15[%parallel_loop3A_279] : memref<2048xf32, #tpu.memory_space<vmem>>[vector<16xi32>], vector<16xf32>,
        %parallel_loop3A_281 = arith.addf %parallel_loop3A_276, %parallel_loop3A_280 : vector<16xf32>
        %parallel_loop3A_282 = arith.constant 8 : i32
        %parallel_loop3A_283 = vector.broadcast %parallel_loop3A_282 : i32 to vector<16xi32>
        %parallel_loop3A_284 = arith.addi %parallel_loop3A_242, %parallel_loop3A_283 : vector<16xi32>
        %parallel_loop3A_285 = tpu.vector_load_idx %arg15[%parallel_loop3A_284] : memref<2048xf32, #tpu.memory_space<vmem>>[vector<16xi32>], vector<16xf32>,
        %parallel_loop3A_286 = arith.addf %parallel_loop3A_281, %parallel_loop3A_285 : vector<16xf32>
        %parallel_loop3A_287 = arith.constant 9 : i32
        %parallel_loop3A_288 = vector.broadcast %parallel_loop3A_287 : i32 to vector<16xi32>
        %parallel_loop3A_289 = arith.addi %parallel_loop3A_242, %parallel_loop3A_288 : vector<16xi32>
        %parallel_loop3A_290 = tpu.vector_load_idx %arg15[%parallel_loop3A_289] : memref<2048xf32, #tpu.memory_space<vmem>>[vector<16xi32>], vector<16xf32>,
        %parallel_loop3A_291 = arith.addf %parallel_loop3A_286, %parallel_loop3A_290 : vector<16xf32>
        %parallel_loop3A_292 = arith.constant 10 : i32
        %parallel_loop3A_293 = vector.broadcast %parallel_loop3A_292 : i32 to vector<16xi32>
        %parallel_loop3A_294 = arith.addi %parallel_loop3A_242, %parallel_loop3A_293 : vector<16xi32>
        %parallel_loop3A_295 = tpu.vector_load_idx %arg15[%parallel_loop3A_294] : memref<2048xf32, #tpu.memory_space<vmem>>[vector<16xi32>], vector<16xf32>,
        %parallel_loop3A_296 = arith.addf %parallel_loop3A_291, %parallel_loop3A_295 : vector<16xf32>
        %parallel_loop3A_297 = arith.constant 11 : i32
        %parallel_loop3A_298 = vector.broadcast %parallel_loop3A_297 : i32 to vector<16xi32>
        %parallel_loop3A_299 = arith.addi %parallel_loop3A_242, %parallel_loop3A_298 : vector<16xi32>
        %parallel_loop3A_300 = tpu.vector_load_idx %arg15[%parallel_loop3A_299] : memref<2048xf32, #tpu.memory_space<vmem>>[vector<16xi32>], vector<16xf32>,
        %parallel_loop3A_301 = arith.addf %parallel_loop3A_296, %parallel_loop3A_300 : vector<16xf32>
        %parallel_loop3A_302 = arith.constant 12 : i32
        %parallel_loop3A_303 = vector.broadcast %parallel_loop3A_302 : i32 to vector<16xi32>
        %parallel_loop3A_304 = arith.addi %parallel_loop3A_242, %parallel_loop3A_303 : vector<16xi32>
        %parallel_loop3A_305 = tpu.vector_load_idx %arg15[%parallel_loop3A_304] : memref<2048xf32, #tpu.memory_space<vmem>>[vector<16xi32>], vector<16xf32>,
        %parallel_loop3A_306 = arith.addf %parallel_loop3A_301, %parallel_loop3A_305 : vector<16xf32>
        %parallel_loop3A_307 = arith.constant 13 : i32
        %parallel_loop3A_308 = vector.broadcast %parallel_loop3A_307 : i32 to vector<16xi32>
        %parallel_loop3A_309 = arith.addi %parallel_loop3A_242, %parallel_loop3A_308 : vector<16xi32>
        %parallel_loop3A_310 = tpu.vector_load_idx %arg15[%parallel_loop3A_309] : memref<2048xf32, #tpu.memory_space<vmem>>[vector<16xi32>], vector<16xf32>,
        %parallel_loop3A_311 = arith.addf %parallel_loop3A_306, %parallel_loop3A_310 : vector<16xf32>
        %parallel_loop3A_312 = arith.constant 14 : i32
        %parallel_loop3A_313 = vector.broadcast %parallel_loop3A_312 : i32 to vector<16xi32>
        %parallel_loop3A_314 = arith.addi %parallel_loop3A_242, %parallel_loop3A_313 : vector<16xi32>
        %parallel_loop3A_315 = tpu.vector_load_idx %arg15[%parallel_loop3A_314] : memref<2048xf32, #tpu.memory_space<vmem>>[vector<16xi32>], vector<16xf32>,
        %parallel_loop3A_316 = arith.addf %parallel_loop3A_311, %parallel_loop3A_315 : vector<16xf32>
        %parallel_loop3A_317 = arith.constant 15 : i32
        %parallel_loop3A_318 = vector.broadcast %parallel_loop3A_317 : i32 to vector<16xi32>
        %parallel_loop3A_319 = arith.addi %parallel_loop3A_242, %parallel_loop3A_318 : vector<16xi32>
        %parallel_loop3A_320 = tpu.vector_load_idx %arg15[%parallel_loop3A_319] : memref<2048xf32, #tpu.memory_space<vmem>>[vector<16xi32>], vector<16xf32>,
        %parallel_loop3A_321 = arith.addf %parallel_loop3A_316, %parallel_loop3A_320 : vector<16xf32>
        %parallel_loop3A_322 = arith.constant 128 : i32
        %parallel_loop3A_323 = arith.muli %add3A_186, %parallel_loop3A_322 : i32
        %parallel_loop3A_324 = arith.constant 16 : i32
        %parallel_loop3A_325 = arith.muli %parallel_loop3A_235, %parallel_loop3A_324 : i32
        %parallel_loop3A_326 = arith.addi %parallel_loop3A_323, %parallel_loop3A_325 : i32
        %parallel_loop3A_327 = arith.index_cast %parallel_loop3A_326 : i32 to index
        %parallel_loop3A_328 = tpu.vector_load %arg16[%parallel_loop3A_327] {strides = array<i32>} : memref<8192xf32, #tpu.memory_space<vmem>>, vector<16xf32>,
        tpu.vector_store %arg16[%parallel_loop3A_327], %parallel_loop3A_321 {strides = array<i32>} : memref<8192xf32, #tpu.memory_space<vmem>>, vector<16xf32>,
      } {sc.loop_unroll_factor = 4 : i64, sc.parallel_access}
      %add3A_193 = arith.constant 3 : i32
      %add3A_194 = arith.addi %mul3A_69, %add3A_193 : i32
      %mul3A_195 = arith.constant 128 : i32
      %mul3A_196 = arith.muli %add3A_194, %mul3A_195 : i32
      %dma_wait3A_197 = tpu.memref_slice %arg5[%mul3A_196] : memref<8192xi32, #tpu.memory_space<vmem>> -> memref<128xi32, #tpu.memory_space<vmem>>
      %dma_wait3A_198 = arith.constant 0 : i32
      %dma_wait3A_199 = arith.constant 0 : i32
      %dma_wait3A_200 = tpu.memref_slice %arg3[%dma_wait3A_198, %dma_wait3A_199] : memref<200000x64xf32, #tpu.memory_space<hbm>> -> memref<200000x64xf32, #tpu.memory_space<hbm>>
      tpu.wait_indirect_dma semaphore(%arg20 : memref<!tpu.dma_semaphore, #tpu.memory_space<semaphore_mem>>) src(%dma_wait3A_200 : memref<200000x64xf32, #tpu.memory_space<hbm>>) dst(%arg13 : memref<128x64xf32, #tpu.memory_space<vmem>>)
      %mul3A_201 = arith.constant 128 : i32
      %mul3A_202 = arith.muli %add3A_194, %mul3A_201 : i32
      %dma_wait3A_203 = tpu.memref_slice %arg6[%mul3A_202] : memref<8192xi32, #tpu.memory_space<vmem>> -> memref<128xi32, #tpu.memory_space<vmem>>
      %dma_wait3A_204 = arith.constant 0 : i32
      %dma_wait3A_205 = arith.constant 0 : i32
      %dma_wait3A_206 = tpu.memref_slice %arg3[%dma_wait3A_204, %dma_wait3A_205] : memref<200000x64xf32, #tpu.memory_space<hbm>> -> memref<200000x64xf32, #tpu.memory_space<hbm>>
      tpu.wait_indirect_dma semaphore(%arg20 : memref<!tpu.dma_semaphore, #tpu.memory_space<semaphore_mem>>) src(%dma_wait3A_206 : memref<200000x64xf32, #tpu.memory_space<hbm>>) dst(%arg14 : memref<128x64xf32, #tpu.memory_space<vmem>>)
      %add3A_207 = arith.constant 3 : i32
      %add3A_208 = arith.addi %mul3A_69, %add3A_207 : i32
      %add3A_209 = arith.constant 4 : i32
      %add3A_210 = arith.addi %add3A_208, %add3A_209 : i32
      %sub3A_211 = arith.constant 1 : i32
      %sub3A_212 = arith.subi %add3A_210, %sub3A_211 : i32
      %rem3A_213 = arith.constant 64 : i32
      %rem3A_214 = arith.remsi %sub3A_212, %rem3A_213 : i32
      %mul3A_215 = arith.constant 128 : i32
      %mul3A_216 = arith.muli %rem3A_214, %mul3A_215 : i32
      %dma_start3A_217 = tpu.memref_slice %arg5[%mul3A_216] : memref<8192xi32, #tpu.memory_space<vmem>> -> memref<128xi32, #tpu.memory_space<vmem>>
      %dma_start3A_218 = arith.constant 0 : i32
      %dma_start3A_219 = arith.constant 0 : i32
      %dma_start3A_220 = tpu.memref_slice %arg3[%dma_start3A_218, %dma_start3A_219] : memref<200000x64xf32, #tpu.memory_space<hbm>> -> memref<200000x64xf32, #tpu.memory_space<hbm>>
      tpu.enqueue_indirect_dma source(%dma_start3A_220 : memref<200000x64xf32, #tpu.memory_space<hbm>>) target(%arg11 : memref<128x64xf32, #tpu.memory_space<vmem>>) offsets(%dma_start3A_217 : memref<128xi32, #tpu.memory_space<vmem>>) semaphore(%arg19 : memref<!tpu.dma_semaphore, #tpu.memory_space<semaphore_mem>>)
      %mul3A_221 = arith.constant 128 : i32
      %mul3A_222 = arith.muli %rem3A_214, %mul3A_221 : i32
      %dma_start3A_223 = tpu.memref_slice %arg6[%mul3A_222] : memref<8192xi32, #tpu.memory_space<vmem>> -> memref<128xi32, #tpu.memory_space<vmem>>
      %dma_start3A_224 = arith.constant 0 : i32
      %dma_start3A_225 = arith.constant 0 : i32
      %dma_start3A_226 = tpu.memref_slice %arg3[%dma_start3A_224, %dma_start3A_225] : memref<200000x64xf32, #tpu.memory_space<hbm>> -> memref<200000x64xf32, #tpu.memory_space<hbm>>
      tpu.enqueue_indirect_dma source(%dma_start3A_226 : memref<200000x64xf32, #tpu.memory_space<hbm>>) target(%arg12 : memref<128x64xf32, #tpu.memory_space<vmem>>) offsets(%dma_start3A_223 : memref<128xi32, #tpu.memory_space<vmem>>) semaphore(%arg19 : memref<!tpu.dma_semaphore, #tpu.memory_space<semaphore_mem>>)
      %add3A_227 = arith.constant 3 : i32
      %add3A_228 = arith.addi %mul3A_69, %add3A_227 : i32
      %parallel_loop3A_229 = arith.constant 0 : i32
      %parallel_loop3A_230 = arith.constant 128 : i32
      %parallel_loop3A_231 = arith.constant 1 : i32
      scf.for %parallel_loop3A_235 = %parallel_loop3A_229 to %parallel_loop3A_230 step %parallel_loop3A_231  : i32 {
        %parallel_loop3A_236 = arith.index_cast %parallel_loop3A_235 : i32 to index
        %parallel_loop3A_237 = arith.constant 0 : index
        %parallel_loop3A_238 = tpu.vector_load %arg13[%parallel_loop3A_236, %parallel_loop3A_237] {strides = array<i32>} : memref<128x64xf32, #tpu.memory_space<vmem>>, vector<16xf32>,
        %parallel_loop3A_239 = arith.index_cast %parallel_loop3A_235 : i32 to index
        %parallel_loop3A_240 = arith.constant 0 : index
        %parallel_loop3A_241 = tpu.vector_load %arg14[%parallel_loop3A_239, %parallel_loop3A_240] {strides = array<i32>} : memref<128x64xf32, #tpu.memory_space<vmem>>, vector<16xf32>,
        %parallel_loop3A_242 = arith.mulf %parallel_loop3A_238, %parallel_loop3A_241 : vector<16xf32>
        %parallel_loop3A_243 = arith.index_cast %parallel_loop3A_235 : i32 to index
        %parallel_loop3A_244 = arith.constant 16 : index
        %parallel_loop3A_245 = tpu.vector_load %arg13[%parallel_loop3A_243, %parallel_loop3A_244] {strides = array<i32>} : memref<128x64xf32, #tpu.memory_space<vmem>>, vector<16xf32>,
        %parallel_loop3A_246 = arith.index_cast %parallel_loop3A_235 : i32 to index
        %parallel_loop3A_247 = arith.constant 16 : index
        %parallel_loop3A_248 = tpu.vector_load %arg14[%parallel_loop3A_246, %parallel_loop3A_247] {strides = array<i32>} : memref<128x64xf32, #tpu.memory_space<vmem>>, vector<16xf32>,
        %parallel_loop3A_249 = arith.mulf %parallel_loop3A_245, %parallel_loop3A_248 : vector<16xf32>
        %parallel_loop3A_250 = arith.addf %parallel_loop3A_242, %parallel_loop3A_249 : vector<16xf32>
        %parallel_loop3A_251 = arith.index_cast %parallel_loop3A_235 : i32 to index
        %parallel_loop3A_252 = arith.constant 32 : index
        %parallel_loop3A_253 = tpu.vector_load %arg13[%parallel_loop3A_251, %parallel_loop3A_252] {strides = array<i32>} : memref<128x64xf32, #tpu.memory_space<vmem>>, vector<16xf32>,
        %parallel_loop3A_254 = arith.index_cast %parallel_loop3A_235 : i32 to index
        %parallel_loop3A_255 = arith.constant 32 : index
        %parallel_loop3A_256 = tpu.vector_load %arg14[%parallel_loop3A_254, %parallel_loop3A_255] {strides = array<i32>} : memref<128x64xf32, #tpu.memory_space<vmem>>, vector<16xf32>,
        %parallel_loop3A_257 = arith.mulf %parallel_loop3A_253, %parallel_loop3A_256 : vector<16xf32>
        %parallel_loop3A_258 = arith.addf %parallel_loop3A_250, %parallel_loop3A_257 : vector<16xf32>
        %parallel_loop3A_259 = arith.index_cast %parallel_loop3A_235 : i32 to index
        %parallel_loop3A_260 = arith.constant 48 : index
        %parallel_loop3A_261 = tpu.vector_load %arg13[%parallel_loop3A_259, %parallel_loop3A_260] {strides = array<i32>} : memref<128x64xf32, #tpu.memory_space<vmem>>, vector<16xf32>,
        %parallel_loop3A_262 = arith.index_cast %parallel_loop3A_235 : i32 to index
        %parallel_loop3A_263 = arith.constant 48 : index
        %parallel_loop3A_264 = tpu.vector_load %arg14[%parallel_loop3A_262, %parallel_loop3A_263] {strides = array<i32>} : memref<128x64xf32, #tpu.memory_space<vmem>>, vector<16xf32>,
        %parallel_loop3A_265 = arith.mulf %parallel_loop3A_261, %parallel_loop3A_264 : vector<16xf32>
        %parallel_loop3A_266 = arith.addf %parallel_loop3A_258, %parallel_loop3A_265 : vector<16xf32>
        %parallel_loop3A_267 = arith.constant 16 : i32
        %parallel_loop3A_268 = arith.muli %parallel_loop3A_235, %parallel_loop3A_267 : i32
        %parallel_loop3A_269 = arith.index_cast %parallel_loop3A_268 : i32 to index
        %parallel_loop3A_270 = tpu.vector_load %arg15[%parallel_loop3A_269] {strides = array<i32>} : memref<2048xf32, #tpu.memory_space<vmem>>, vector<16xf32>,
        tpu.vector_store %arg15[%parallel_loop3A_269], %parallel_loop3A_266 {strides = array<i32>} : memref<2048xf32, #tpu.memory_space<vmem>>, vector<16xf32>,
      } {sc.loop_unroll_factor = 8 : i64, sc.parallel_access}
      %parallel_loop3A_232 = arith.constant 0 : i32
      %parallel_loop3A_233 = arith.constant 8 : i32
      %parallel_loop3A_234 = arith.constant 1 : i32
      scf.for %parallel_loop3A_235 = %parallel_loop3A_232 to %parallel_loop3A_233 step %parallel_loop3A_234  : i32 {
        %parallel_loop3A_236 = arith.constant 16 : i32
        %parallel_loop3A_237 = arith.muli %parallel_loop3A_235, %parallel_loop3A_236 : i32
        %parallel_loop3A_238 = vector.broadcast %parallel_loop3A_237 : i32 to vector<16xi32>
        %parallel_loop3A_239 = arith.addi %iota3A, %parallel_loop3A_238 : vector<16xi32>
        %parallel_loop3A_240 = arith.constant 16 : i32
        %parallel_loop3A_241 = vector.broadcast %parallel_loop3A_240 : i32 to vector<16xi32>
        %parallel_loop3A_242 = arith.muli %parallel_loop3A_239, %parallel_loop3A_241 : vector<16xi32>
        %parallel_loop3A_243 = arith.constant 0 : i32
        %parallel_loop3A_244 = vector.broadcast %parallel_loop3A_243 : i32 to vector<16xi32>
        %parallel_loop3A_245 = arith.addi %parallel_loop3A_242, %parallel_loop3A_244 : vector<16xi32>
        %parallel_loop3A_246 = tpu.vector_load_idx %arg15[%parallel_loop3A_245] : memref<2048xf32, #tpu.memory_space<vmem>>[vector<16xi32>], vector<16xf32>,
        %parallel_loop3A_247 = arith.constant 1 : i32
        %parallel_loop3A_248 = vector.broadcast %parallel_loop3A_247 : i32 to vector<16xi32>
        %parallel_loop3A_249 = arith.addi %parallel_loop3A_242, %parallel_loop3A_248 : vector<16xi32>
        %parallel_loop3A_250 = tpu.vector_load_idx %arg15[%parallel_loop3A_249] : memref<2048xf32, #tpu.memory_space<vmem>>[vector<16xi32>], vector<16xf32>,
        %parallel_loop3A_251 = arith.addf %parallel_loop3A_246, %parallel_loop3A_250 : vector<16xf32>
        %parallel_loop3A_252 = arith.constant 2 : i32
        %parallel_loop3A_253 = vector.broadcast %parallel_loop3A_252 : i32 to vector<16xi32>
        %parallel_loop3A_254 = arith.addi %parallel_loop3A_242, %parallel_loop3A_253 : vector<16xi32>
        %parallel_loop3A_255 = tpu.vector_load_idx %arg15[%parallel_loop3A_254] : memref<2048xf32, #tpu.memory_space<vmem>>[vector<16xi32>], vector<16xf32>,
        %parallel_loop3A_256 = arith.addf %parallel_loop3A_251, %parallel_loop3A_255 : vector<16xf32>
        %parallel_loop3A_257 = arith.constant 3 : i32
        %parallel_loop3A_258 = vector.broadcast %parallel_loop3A_257 : i32 to vector<16xi32>
        %parallel_loop3A_259 = arith.addi %parallel_loop3A_242, %parallel_loop3A_258 : vector<16xi32>
        %parallel_loop3A_260 = tpu.vector_load_idx %arg15[%parallel_loop3A_259] : memref<2048xf32, #tpu.memory_space<vmem>>[vector<16xi32>], vector<16xf32>,
        %parallel_loop3A_261 = arith.addf %parallel_loop3A_256, %parallel_loop3A_260 : vector<16xf32>
        %parallel_loop3A_262 = arith.constant 4 : i32
        %parallel_loop3A_263 = vector.broadcast %parallel_loop3A_262 : i32 to vector<16xi32>
        %parallel_loop3A_264 = arith.addi %parallel_loop3A_242, %parallel_loop3A_263 : vector<16xi32>
        %parallel_loop3A_265 = tpu.vector_load_idx %arg15[%parallel_loop3A_264] : memref<2048xf32, #tpu.memory_space<vmem>>[vector<16xi32>], vector<16xf32>,
        %parallel_loop3A_266 = arith.addf %parallel_loop3A_261, %parallel_loop3A_265 : vector<16xf32>
        %parallel_loop3A_267 = arith.constant 5 : i32
        %parallel_loop3A_268 = vector.broadcast %parallel_loop3A_267 : i32 to vector<16xi32>
        %parallel_loop3A_269 = arith.addi %parallel_loop3A_242, %parallel_loop3A_268 : vector<16xi32>
        %parallel_loop3A_270 = tpu.vector_load_idx %arg15[%parallel_loop3A_269] : memref<2048xf32, #tpu.memory_space<vmem>>[vector<16xi32>], vector<16xf32>,
        %parallel_loop3A_271 = arith.addf %parallel_loop3A_266, %parallel_loop3A_270 : vector<16xf32>
        %parallel_loop3A_272 = arith.constant 6 : i32
        %parallel_loop3A_273 = vector.broadcast %parallel_loop3A_272 : i32 to vector<16xi32>
        %parallel_loop3A_274 = arith.addi %parallel_loop3A_242, %parallel_loop3A_273 : vector<16xi32>
        %parallel_loop3A_275 = tpu.vector_load_idx %arg15[%parallel_loop3A_274] : memref<2048xf32, #tpu.memory_space<vmem>>[vector<16xi32>], vector<16xf32>,
        %parallel_loop3A_276 = arith.addf %parallel_loop3A_271, %parallel_loop3A_275 : vector<16xf32>
        %parallel_loop3A_277 = arith.constant 7 : i32
        %parallel_loop3A_278 = vector.broadcast %parallel_loop3A_277 : i32 to vector<16xi32>
        %parallel_loop3A_279 = arith.addi %parallel_loop3A_242, %parallel_loop3A_278 : vector<16xi32>
        %parallel_loop3A_280 = tpu.vector_load_idx %arg15[%parallel_loop3A_279] : memref<2048xf32, #tpu.memory_space<vmem>>[vector<16xi32>], vector<16xf32>,
        %parallel_loop3A_281 = arith.addf %parallel_loop3A_276, %parallel_loop3A_280 : vector<16xf32>
        %parallel_loop3A_282 = arith.constant 8 : i32
        %parallel_loop3A_283 = vector.broadcast %parallel_loop3A_282 : i32 to vector<16xi32>
        %parallel_loop3A_284 = arith.addi %parallel_loop3A_242, %parallel_loop3A_283 : vector<16xi32>
        %parallel_loop3A_285 = tpu.vector_load_idx %arg15[%parallel_loop3A_284] : memref<2048xf32, #tpu.memory_space<vmem>>[vector<16xi32>], vector<16xf32>,
        %parallel_loop3A_286 = arith.addf %parallel_loop3A_281, %parallel_loop3A_285 : vector<16xf32>
        %parallel_loop3A_287 = arith.constant 9 : i32
        %parallel_loop3A_288 = vector.broadcast %parallel_loop3A_287 : i32 to vector<16xi32>
        %parallel_loop3A_289 = arith.addi %parallel_loop3A_242, %parallel_loop3A_288 : vector<16xi32>
        %parallel_loop3A_290 = tpu.vector_load_idx %arg15[%parallel_loop3A_289] : memref<2048xf32, #tpu.memory_space<vmem>>[vector<16xi32>], vector<16xf32>,
        %parallel_loop3A_291 = arith.addf %parallel_loop3A_286, %parallel_loop3A_290 : vector<16xf32>
        %parallel_loop3A_292 = arith.constant 10 : i32
        %parallel_loop3A_293 = vector.broadcast %parallel_loop3A_292 : i32 to vector<16xi32>
        %parallel_loop3A_294 = arith.addi %parallel_loop3A_242, %parallel_loop3A_293 : vector<16xi32>
        %parallel_loop3A_295 = tpu.vector_load_idx %arg15[%parallel_loop3A_294] : memref<2048xf32, #tpu.memory_space<vmem>>[vector<16xi32>], vector<16xf32>,
        %parallel_loop3A_296 = arith.addf %parallel_loop3A_291, %parallel_loop3A_295 : vector<16xf32>
        %parallel_loop3A_297 = arith.constant 11 : i32
        %parallel_loop3A_298 = vector.broadcast %parallel_loop3A_297 : i32 to vector<16xi32>
        %parallel_loop3A_299 = arith.addi %parallel_loop3A_242, %parallel_loop3A_298 : vector<16xi32>
        %parallel_loop3A_300 = tpu.vector_load_idx %arg15[%parallel_loop3A_299] : memref<2048xf32, #tpu.memory_space<vmem>>[vector<16xi32>], vector<16xf32>,
        %parallel_loop3A_301 = arith.addf %parallel_loop3A_296, %parallel_loop3A_300 : vector<16xf32>
        %parallel_loop3A_302 = arith.constant 12 : i32
        %parallel_loop3A_303 = vector.broadcast %parallel_loop3A_302 : i32 to vector<16xi32>
        %parallel_loop3A_304 = arith.addi %parallel_loop3A_242, %parallel_loop3A_303 : vector<16xi32>
        %parallel_loop3A_305 = tpu.vector_load_idx %arg15[%parallel_loop3A_304] : memref<2048xf32, #tpu.memory_space<vmem>>[vector<16xi32>], vector<16xf32>,
        %parallel_loop3A_306 = arith.addf %parallel_loop3A_301, %parallel_loop3A_305 : vector<16xf32>
        %parallel_loop3A_307 = arith.constant 13 : i32
        %parallel_loop3A_308 = vector.broadcast %parallel_loop3A_307 : i32 to vector<16xi32>
        %parallel_loop3A_309 = arith.addi %parallel_loop3A_242, %parallel_loop3A_308 : vector<16xi32>
        %parallel_loop3A_310 = tpu.vector_load_idx %arg15[%parallel_loop3A_309] : memref<2048xf32, #tpu.memory_space<vmem>>[vector<16xi32>], vector<16xf32>,
        %parallel_loop3A_311 = arith.addf %parallel_loop3A_306, %parallel_loop3A_310 : vector<16xf32>
        %parallel_loop3A_312 = arith.constant 14 : i32
        %parallel_loop3A_313 = vector.broadcast %parallel_loop3A_312 : i32 to vector<16xi32>
        %parallel_loop3A_314 = arith.addi %parallel_loop3A_242, %parallel_loop3A_313 : vector<16xi32>
        %parallel_loop3A_315 = tpu.vector_load_idx %arg15[%parallel_loop3A_314] : memref<2048xf32, #tpu.memory_space<vmem>>[vector<16xi32>], vector<16xf32>,
        %parallel_loop3A_316 = arith.addf %parallel_loop3A_311, %parallel_loop3A_315 : vector<16xf32>
        %parallel_loop3A_317 = arith.constant 15 : i32
        %parallel_loop3A_318 = vector.broadcast %parallel_loop3A_317 : i32 to vector<16xi32>
        %parallel_loop3A_319 = arith.addi %parallel_loop3A_242, %parallel_loop3A_318 : vector<16xi32>
        %parallel_loop3A_320 = tpu.vector_load_idx %arg15[%parallel_loop3A_319] : memref<2048xf32, #tpu.memory_space<vmem>>[vector<16xi32>], vector<16xf32>,
        %parallel_loop3A_321 = arith.addf %parallel_loop3A_316, %parallel_loop3A_320 : vector<16xf32>
        %parallel_loop3A_322 = arith.constant 128 : i32
        %parallel_loop3A_323 = arith.muli %add3A_228, %parallel_loop3A_322 : i32
        %parallel_loop3A_324 = arith.constant 16 : i32
        %parallel_loop3A_325 = arith.muli %parallel_loop3A_235, %parallel_loop3A_324 : i32
        %parallel_loop3A_326 = arith.addi %parallel_loop3A_323, %parallel_loop3A_325 : i32
        %parallel_loop3A_327 = arith.index_cast %parallel_loop3A_326 : i32 to index
        %parallel_loop3A_328 = tpu.vector_load %arg16[%parallel_loop3A_327] {strides = array<i32>} : memref<8192xf32, #tpu.memory_space<vmem>>, vector<16xf32>,
        tpu.vector_store %arg16[%parallel_loop3A_327], %parallel_loop3A_321 {strides = array<i32>} : memref<8192xf32, #tpu.memory_space<vmem>>, vector<16xf32>,
      } {sc.loop_unroll_factor = 4 : i64, sc.parallel_access}
    }
    %scan3A_37 = arith.constant 16 : i32
    %dma_wait3A = arith.constant 0 : i32
    %dma_wait3A_38 = tpu.memref_slice %arg5[%dma_wait3A] : memref<8192xi32, #tpu.memory_space<vmem>> -> memref<128xi32, #tpu.memory_space<vmem>>
    %dma_wait3A_39 = arith.constant 0 : i32
    %dma_wait3A_40 = arith.constant 0 : i32
    %dma_wait3A_41 = tpu.memref_slice %arg3[%dma_wait3A_39, %dma_wait3A_40] : memref<200000x64xf32, #tpu.memory_space<hbm>> -> memref<200000x64xf32, #tpu.memory_space<hbm>>
    tpu.wait_indirect_dma semaphore(%arg17 : memref<!tpu.dma_semaphore, #tpu.memory_space<semaphore_mem>>) src(%dma_wait3A_41 : memref<200000x64xf32, #tpu.memory_space<hbm>>) dst(%arg7 : memref<128x64xf32, #tpu.memory_space<vmem>>)
    %dma_wait3A_42 = arith.constant 0 : i32
    %dma_wait3A_43 = tpu.memref_slice %arg6[%dma_wait3A_42] : memref<8192xi32, #tpu.memory_space<vmem>> -> memref<128xi32, #tpu.memory_space<vmem>>
    %dma_wait3A_44 = arith.constant 0 : i32
    %dma_wait3A_45 = arith.constant 0 : i32
    %dma_wait3A_46 = tpu.memref_slice %arg3[%dma_wait3A_44, %dma_wait3A_45] : memref<200000x64xf32, #tpu.memory_space<hbm>> -> memref<200000x64xf32, #tpu.memory_space<hbm>>
    tpu.wait_indirect_dma semaphore(%arg17 : memref<!tpu.dma_semaphore, #tpu.memory_space<semaphore_mem>>) src(%dma_wait3A_46 : memref<200000x64xf32, #tpu.memory_space<hbm>>) dst(%arg8 : memref<128x64xf32, #tpu.memory_space<vmem>>)
    %dma_wait3A_47 = arith.constant 128 : i32
    %dma_wait3A_48 = tpu.memref_slice %arg5[%dma_wait3A_47] : memref<8192xi32, #tpu.memory_space<vmem>> -> memref<128xi32, #tpu.memory_space<vmem>>
    %dma_wait3A_49 = arith.constant 0 : i32
    %dma_wait3A_50 = arith.constant 0 : i32
    %dma_wait3A_51 = tpu.memref_slice %arg3[%dma_wait3A_49, %dma_wait3A_50] : memref<200000x64xf32, #tpu.memory_space<hbm>> -> memref<200000x64xf32, #tpu.memory_space<hbm>>
    tpu.wait_indirect_dma semaphore(%arg18 : memref<!tpu.dma_semaphore, #tpu.memory_space<semaphore_mem>>) src(%dma_wait3A_51 : memref<200000x64xf32, #tpu.memory_space<hbm>>) dst(%arg9 : memref<128x64xf32, #tpu.memory_space<vmem>>)
    %dma_wait3A_52 = arith.constant 128 : i32
    %dma_wait3A_53 = tpu.memref_slice %arg6[%dma_wait3A_52] : memref<8192xi32, #tpu.memory_space<vmem>> -> memref<128xi32, #tpu.memory_space<vmem>>
    %dma_wait3A_54 = arith.constant 0 : i32
    %dma_wait3A_55 = arith.constant 0 : i32
    %dma_wait3A_56 = tpu.memref_slice %arg3[%dma_wait3A_54, %dma_wait3A_55] : memref<200000x64xf32, #tpu.memory_space<hbm>> -> memref<200000x64xf32, #tpu.memory_space<hbm>>
    tpu.wait_indirect_dma semaphore(%arg18 : memref<!tpu.dma_semaphore, #tpu.memory_space<semaphore_mem>>) src(%dma_wait3A_56 : memref<200000x64xf32, #tpu.memory_space<hbm>>) dst(%arg10 : memref<128x64xf32, #tpu.memory_space<vmem>>)
    %dma_wait3A_57 = arith.constant 256 : i32
    %dma_wait3A_58 = tpu.memref_slice %arg5[%dma_wait3A_57] : memref<8192xi32, #tpu.memory_space<vmem>> -> memref<128xi32, #tpu.memory_space<vmem>>
    %dma_wait3A_59 = arith.constant 0 : i32
    %dma_wait3A_60 = arith.constant 0 : i32
    %dma_wait3A_61 = tpu.memref_slice %arg3[%dma_wait3A_59, %dma_wait3A_60] : memref<200000x64xf32, #tpu.memory_space<hbm>> -> memref<200000x64xf32, #tpu.memory_space<hbm>>
    tpu.wait_indirect_dma semaphore(%arg19 : memref<!tpu.dma_semaphore, #tpu.memory_space<semaphore_mem>>) src(%dma_wait3A_61 : memref<200000x64xf32, #tpu.memory_space<hbm>>) dst(%arg11 : memref<128x64xf32, #tpu.memory_space<vmem>>)
    %dma_wait3A_62 = arith.constant 256 : i32
    %dma_wait3A_63 = tpu.memref_slice %arg6[%dma_wait3A_62] : memref<8192xi32, #tpu.memory_space<vmem>> -> memref<128xi32, #tpu.memory_space<vmem>>
    %dma_wait3A_64 = arith.constant 0 : i32
    %dma_wait3A_65 = arith.constant 0 : i32
    %dma_wait3A_66 = tpu.memref_slice %arg3[%dma_wait3A_64, %dma_wait3A_65] : memref<200000x64xf32, #tpu.memory_space<hbm>> -> memref<200000x64xf32, #tpu.memory_space<hbm>>
    tpu.wait_indirect_dma semaphore(%arg19 : memref<!tpu.dma_semaphore, #tpu.memory_space<semaphore_mem>>) src(%dma_wait3A_66 : memref<200000x64xf32, #tpu.memory_space<hbm>>) dst(%arg12 : memref<128x64xf32, #tpu.memory_space<vmem>>)
    "tpu.region"() ({
      %run_scoped3A_67 = tpu.sem_alloc : memref<!tpu.dma_semaphore, #tpu.memory_space<semaphore_mem>>
      %dma_start3A_68 = tpu.memref_slice %arg4[%mul3A_2] : memref<262144xf32, #tpu.memory_space<hbm>> -> memref<8192xf32, #tpu.memory_space<hbm>>
      %dma_start3A_69 = tpu.memref_slice %arg4[%mul3A_2] : memref<262144xf32, #tpu.memory_space<hbm>> -> memref<8192xf32, #tpu.memory_space<hbm>>
      tpu.enqueue_dma source(%arg16 : memref<8192xf32, #tpu.memory_space<vmem>>) target(%dma_start3A_69 : memref<8192xf32, #tpu.memory_space<hbm>>) target_semaphore(%run_scoped3A_67 : memref<!tpu.dma_semaphore, #tpu.memory_space<semaphore_mem>>)
      %dma_wait3A_70 = tpu.memref_slice %arg4[%mul3A_2] : memref<262144xf32, #tpu.memory_space<hbm>> -> memref<8192xf32, #tpu.memory_space<hbm>>
      %dma_wait3A_71 = tpu.memref_slice %arg4[%mul3A_2] : memref<262144xf32, #tpu.memory_space<hbm>> -> memref<8192xf32, #tpu.memory_space<hbm>>
      tpu.wait_dma2 semaphore(%run_scoped3A_67 : memref<!tpu.dma_semaphore, #tpu.memory_space<semaphore_mem>>) src(%arg16 : memref<8192xf32, #tpu.memory_space<vmem>>) dst(%dma_wait3A_71 : memref<8192xf32, #tpu.memory_space<hbm>>)
      tpu.yield
    }) : () -> ()
    return
  }
}

</mosaic_0001>

<sc_bundles>
// kernel: kernel.3.cloned.1.call-start
scs
__scs_entry_jumppad:
0x0: {  	(pc) =	sbr.rel $0x88, $3  }
0x1: {  	(tag) =	ssettag $0x0;
	lr =	simm.s32 $0x1  }
0x2: {  	[smem:$0x3F9F] =	sst lr;
	_ =	strace $0xD0000000  }
0x3: {  	_ = 	snop  }
0x4: {  	_ = 	snop  }
0x5: {  	_ = 	snop  }
0x6: {  	_ = 	snop  }
0x7: {  	_ = 	snop  }
__scs_overlays_trampoline_lowered:
0x8: {  	[smem:$0x3FAE] =	sst s0  }
0x9: {  	[smem:$0x3FAF] =	sst s1  }
0xa: {  	[smem:$0x3FB0] =	sst s2  }
0xb: {  	[smem:$0x3FB1] =	sst s3  }
0xc: {  	[smem:$0x3FB2] =	sst s4  }
0xd: {  	[smem:$0x3FB3] =	sst s5  }
0xe: {  	[smem:$0x3FB4] =	sst s6  }
0xf: {  	[smem:$0x3FB5] =	sst s7  }
0x10: {  	[smem:$0x3FB6] =	sst s8  }
0x11: {  	[smem:$0x3FB7] =	sst s9;
	s0 =	simm.s32 @!p0 $0x0  }
0x12: {  	s1 =	sld [smem:$0x3F9D];
	s0 =	simm.s32 @p0 $0x1  }
0x13: {  	[smem:$0x3FB8] =	sst s0;
	s0 =	simm.s32 @!p1 $0x0  }
0x14: {  	s2 =	sld [smem:$0x3F9C];
	s0 =	simm.s32 @p1 $0x1  }
0x15: {  	[smem:$0x3FB9] =	sst s0;
	s0 =	simm.s32 @!p2 $0x0  }
0x16: {  	s3 =	sld [smem:$0x3FDB];
	s0 =	simm.s32 @p2 $0x1  }
0x17: {  	s4 =	simm.s32 $0x1BF5;
	[smem:$0x3FBB] =	sst s0  }
0x18: {  	s0 =	sld [smem:$0x3F9E];
	_ =	swait.ge [sflag:s4], $0x0  }
0x19: {  	s7 =	sld [smem:$0x3F9F]  }
0x1a: {  	s8 =	sadd.s32 $0xFFFFE003, lr  }
0x1b: {  	s9 =	sadd.s32 $0xFFFFFEF7, lr;
	s5 =	simm.s32 $0xFFFFFFFF;
	p2 =	slt.u32 s8, $0xFFFFF086  }
0x1c: {  	p1 =	slt.u32 s9, $0xF7A;
	s5 =	simm.s32 @!p2 $0x0  }
0x1d: {  	s5 =	simm.s32 @p1 $0x1;
	p0 =	seq.s32 s7, s2  }
0x1e: {  	s7 =	smul.u32 @!p0 $0xF7A, s2;
	p2 =	seq.s32 @!p0 s5, $0x0  }
0x1f: {  	s9 =	smul.u32 $0xF7A, s1;
	s8 =	simm.s32 @!p0 $0x1BF5;
	p2 =	por !p2, p0  }
0x20: {  	[sflag:s8] =	ssyncset.s32 @!p0 $0xFFFFF086;
	s6 =	sadd.s32 @!p0 s3, s7;
	s7 =	simm.s32 @!p0 $0x108  }
0x21: {  	s3 =	sadd.s32 s3, s9;
	s6 =	sadd.s32 @!p0 $0x88, s6;
	s7 =	simm.s32 @p2 $0x1082  }
0x22: {  	[simem:s7], [sflag:s8] =	dma.local @!p0 [hbm:s6], $0xF7A  }
0x23: {  	s9 =	sor.u32 $0xD0000000, s2;
	s6 =	simm.s32 $0x108;
	_ =	swait.ge @!p0 [sflag:s8], $0x0  }
0x24: {  	s3 =	sadd.s32 $0x88, s3;
	s6 =	simm.s32 @!p1 $0x1082;
	[sflag:s4] =	ssyncset.s32 $0xFFFFF086  }
0x25: {  	[simem:s6], [sflag:s4] =	dma.local [hbm:s3], $0xF7A  }
0x26: {  	[smem:$0x3F9F] =	sst s1;
	(tag) =	ssettag s2;
	_ =	strace s9  }
0x27: {  	s1 =	sld [smem:$0x3FAF]  }
0x28: {  	s2 =	sld [smem:$0x3FB0]  }
0x29: {  	s4 =	sld [smem:$0x3FB2]  }
0x2a: {  	p0 =	seq.s32 s5, $0x0;
	s5 =	sld [smem:$0x3FB3]  }
0x2b: {  	s6 =	sld [smem:$0x3FB4]  }
0x2c: {  	s7 =	sld [smem:$0x3FB5]  }
0x2d: {  	s3 =	simm.s32 $0x108;
	s8 =	sld [smem:$0x3FB6]  }
0x2e: {  	s3 =	simm.s32 @!p0 $0x1082;
	s9 =	sld [smem:$0x3FB7]  }
0x2f: {  	lr =	sadd.s32 s0, s3;
	s0 =	sld [smem:$0x3FAE]  }
0x30: {  	s3 =	sld [smem:$0x3FB1]  }
0x31: {  	[smem:$0x3FBA] =	sst s10  }
0x32: {  	s10 =	sld [smem:$0x3FB8];
	_ =	sdelay $0x3  }
0x33: {  	p0 =	seq.s32 s10, $0x1;
	s10 =	sld [smem:$0x3FBA];
	_ =	sdelay $0x3  }
0x34: {  	[smem:$0x3FBA] =	sst s10  }
0x35: {  	s10 =	sld [smem:$0x3FB9];
	_ =	sdelay $0x3  }
0x36: {  	p1 =	seq.s32 s10, $0x1;
	s10 =	sld [smem:$0x3FBA];
	_ =	sdelay $0x3  }
0x37: {  	[smem:$0x3FBA] =	sst s10  }
0x38: {  	s10 =	sld [smem:$0x3FBB]  }
0x39: {  	_ = 	snop;
	(pc) =	sbr.ind lr, $3  }
0x3a: {  	_ = 	snop  }
0x3b: {  	_ = 	snop  }
0x3c: {  	p2 =	seq.s32 s10, $0x1;
	s10 =	sld [smem:$0x3FBA]  }
0x3d: {  	_ =	shalt  }
0x3e: {  	_ =	shalt  }
0x3f: {  	_ =	shalt  }
0x40: {  	_ =	shalt  }
0x41: {  	_ =	shalt  }
0x42: {  	_ =	shalt  }
0x43: {  	_ =	shalt  }
0x44: {  	_ =	shalt  }
0x45: {  	_ =	shalt  }
0x46: {  	_ =	shalt  }
0x47: {  	_ =	shalt  }
0x48: {  	_ =	shalt  }
0x49: {  	_ =	shalt  }
0x4a: {  	_ =	shalt  }
0x4b: {  	_ =	shalt  }
0x4c: {  	_ =	shalt  }
0x4d: {  	_ =	shalt  }
0x4e: {  	_ =	shalt  }
0x4f: {  	_ =	shalt  }
0x50: {  	_ =	shalt  }
0x51: {  	_ =	shalt  }
0x52: {  	_ =	shalt  }
0x53: {  	_ =	shalt  }
0x54: {  	_ =	shalt  }
0x55: {  	_ =	shalt  }
0x56: {  	_ =	shalt  }
0x57: {  	_ =	shalt  }
0x58: {  	_ =	shalt  }
0x59: {  	_ =	shalt  }
0x5a: {  	_ =	shalt  }
0x5b: {  	_ =	shalt  }
0x5c: {  	_ =	shalt  }
0x5d: {  	_ =	shalt  }
0x5e: {  	_ =	shalt  }
0x5f: {  	_ =	shalt  }
0x60: {  	_ =	shalt  }
0x61: {  	_ =	shalt  }
0x62: {  	_ =	shalt  }
0x63: {  	_ =	shalt  }
0x64: {  	_ =	shalt  }
0x65: {  	_ =	shalt  }
0x66: {  	_ =	shalt  }
0x67: {  	_ =	shalt  }
0x68: {  	_ =	shalt  }
0x69: {  	_ =	shalt  }
0x6a: {  	_ =	shalt  }
0x6b: {  	_ =	shalt  }
0x6c: {  	_ =	shalt  }
0x6d: {  	_ =	shalt  }
0x6e: {  	_ =	shalt  }
0x6f: {  	_ =	shalt  }
0x70: {  	_ =	shalt  }
0x71: {  	_ =	shalt  }
0x72: {  	_ =	shalt  }
0x73: {  	_ =	shalt  }
0x74: {  	_ =	shalt  }
0x75: {  	_ =	shalt  }
0x76: {  	_ =	shalt  }
0x77: {  	_ =	shalt  }
0x78: {  	_ =	shalt  }
0x79: {  	_ =	shalt  }
0x7a: {  	_ =	shalt  }
0x7b: {  	_ =	shalt  }
0x7c: {  	_ =	shalt  }
0x7d: {  	_ =	shalt  }
0x7e: {  	_ =	shalt  }
0x7f: {  	_ =	shalt  }
0x80: {  	_ =	shalt  }
0x81: {  	_ =	shalt  }
0x82: {  	_ =	shalt  }
0x83: {  	_ =	shalt  }
0x84: {  	_ =	shalt  }
0x85: {  	_ =	shalt  }
0x86: {  	_ =	shalt  }
0x87: {  	_ =	shalt  }
.Lfunc_end0:
.L_simem_size_0:
called_computation_lowered:
.L_overlay_start_0:
0x88: {  	s2 =	sld [smem:$0x3FD9]  }
0x89: {  	s3 =	sld [smem:$0x3FFE];
	_ =	sdelay $0x1  }
0x8a: {  	s1 =	srdreg.scid  }
0x8b: {  	s0 =	sand.u32 $0x1, s1  }
0x8c: {  	s17 =	sshll.u32 s0, $0xA;
	s2 =	sadd.s32 s3, s2  }
0x8d: {  	s2 =	sadd.s32 s2, s17  }
0x8e: {  	[smem:$0x3FC6] =	sst s2  }
0x8f: {  	_ = 	snop  }
0x90: {  	s2 =	sld [smem:$0x3FD0];
	(tm) =	ssettm $0x1  }
0x91: {  	s18 =	sld [smem:$0x3FFB];
	_ =	sdelay $0x3  }
0x92: {  	_ =	strace s18  }
0x93: {  	s3 =	sld [smem:$0x3FFC];
	_ =	sdelay $0x3  }
0x94: {  	_ =	strace s3  }
0x95: {  	s3 =	sld [smem:$0x3FFD];
	_ =	sdelay $0x3  }
0x96: {  	_ =	strace s3  }
0x97: {  	_ =	strace $0x8FFFFFFF  }
0x98: {  	s19 =	sld [smem:$0x3FDB];
	_ =	sdelay $0x1  }
0x99: {  	s4 =	simm.s32 $_scs_section_size  }
0x9a: {  	s5 =	simm.s32 $_size__tile_overlayer_lowered;
	s6 =	simm.s32 $_tile_overlayer_lowered  }
0x9b: {  	s22 =	simm.s32 $0x1BFF;
	s21 =	sshll.u32 s6, $0x1;
	s3 =	sadd.s32 s4, s19  }
0x9c: {  	s7 =	simm.s32 $0x0;
	s20 =	sshll.u32 s5, $0x1;
	s5 =	sadd.s32 s21, s3  }
0x9d: {  	[timem:s7], [sflag:s22] =	dma.local [hbm:s5], s20  }
0x9e: {  	_ =	swait.ge [sflag:s22], s20  }
0x9f: {  	s4 =	ssub.s32 $0x0, s20;
	[sflag:s22] =	ssyncset.done $0x0  }
0xa0: {  	[sflag:s22] =	ssyncadd.s32 s4;
	_ =	sdelay $0x1  }
0xa1: {  	s23 =	simm.s32 $0x1B8B  }
0xa2: {  	_ =	swait.ge [sflag:s23], $0x1  }
0xa3: {  	[sflag:s23] =	ssyncset.done $0x0  }
0xa4: {  	s25 =	simm.s32 $0x1B8E;
	s24 =	sld [smem:$0x3FFE];
	[sflag:s23] =	ssyncadd.s32 $0xFFFFFFFF  }
0xa5: {  	s26 =	simm.s32 $execute0_lowered;
	[smem:$0x3FD2] =	sst s25  }
0xa6: {  	s5 =	sshll.u32 s26, $0x1;
	_ =	strace $0x80000046;
	[dreg:$0x1] =	wrdreg $0xFFFFFFFF  }
0xa7: {  	s28 =	simm.s32 $_size_execute0_lowered;
	s3 =	sadd.s32 s3, s5;
	[dreg:$0x0] =	wrdreg $0x0  }
0xa8: {  	s5 =	sshll.u32 s28, $0x1;
	[dreg:$0x2] =	wrdreg s3  }
0xa9: {  	[dreg:$0x3] =	wrdreg s5  }
0xaa: {  	[dreg:$0x4] =	wrdreg $0xC0  }
0xab: {  	_ =	task [dreg:s7], $0x5FFFF  }
0xac: {  	[dreg:$0x1] =	wrdreg $0xFFFFFFFF  }
0xad: {  	[dreg:$0x0] =	wrdreg $0x60  }
0xae: {  	[dreg:$0x2] =	wrdreg s24  }
0xaf: {  	[dreg:$0x3] =	wrdreg s2  }
0xb0: {  	[dreg:$0x4] =	wrdreg $0x9  }
0xb1: {  	_ =	task.clear_ibuf [dreg:s7], $0x5FFFF;
	_ =	strace $0x90000046  }
0xb2: {  	s29 =	simm.s32 $0x9;
	_ =	strace $0x80000048  }
0xb3: {  	_ =	swait.ge [sflag:s29], $0x1  }
0xb4: {  	[sflag:s29] =	ssyncadd.s32 $0xFFFFFFFF  }
0xb5: {  	_ =	strace $0x90000048  }
0xb6: {  	_ =	sfence  }
0xb7: {  	s30 =	sld [smem:$0x0];
	_ =	sdelay $0x2  }
0xb8: {  	s31 =	sshll.u32 s1, $0xD;
	s1 =	sshrl.u32 s1, $0x2  }
0xb9: {  	s3 =	sand.u32 $0x4000, s31;
	s1 =	sadd.s32 s1, s30  }
0xba: {  	s0 =	sor.u32 s3, s0;
	s1 =	sshll.u32 s1, $0x11  }
0xbb: {  	s0 =	sor.u32 s1, s0  }
0xbc: {  	s0 =	sadd.s32 $0x8F2B, s0  }
0xbd: {  	[sflag:s0] =	ssyncadd.remote.s32 $0x1  }
0xbe: {  	_ =	sfence.sel $0xFFFF  }
0xbf: {  	[dreg:$0x0] =	wrdreg $0xFFFFFFFF;
	(pc) =	sbr.abs _section_cstart, $3  }
0xc0: {  	[dreg:$0x1] =	wrdreg $0xFFFFFFFF  }
0xc1: {  	_ =	task.clear_ibuf [dreg:s7], $0x2FFFF;
	_ =	strace $0x9FFFFFFF  }
0xc2: {  	(tm) =	ssettm $0x7FFFFFFF  }
0xc3: {  	_ =	shalt  }
tec
execute0_lowered:
.L_overlay_start_1:
0x0: {  	(tag) =	ssettag $0x1  }
0x1: {  	s0 =	rddreg [dreg:$0x0]  }
0x2: {  	s1 =	rddreg [dreg:$0x1]  }
0x3: {  	s2 =	srdreg.scid;
	s4 =	stileid.u32;
	s8 =	simm.s32 $0x5  }
0x4: {  	s9 =	simm.s32 $0x2000;
	s10 =	simm.s32 $0x80;
	s11 =	simm.s32 $0x4000  }
0x5: {  	s12 =	simm.s32 $0x6000;
	s13 =	simm.s32 $0x8000;
	s15 =	simm.s32 $0xA000  }
0x6: {  	s17 =	simm.s32 $0xC000;
	s19 =	simm.s32 $0xE000;
	s20 =	simm.s32 $0x1  }
0x7: {  	s21 =	simm.s32 $0x10000;
	s22 =	simm.s32 $0x12000;
	s23 =	simm.s32 $0x14000  }
0x8: {  	s24 =	simm.s32 $0x2;
	s25 =	simm.s32 $0x3;
	s26 =	simm.s32 $0x4  }
0x9: {  	s28 =	simm.s32 $0x14800;
	s29 =	simm.s32 $0x0;
	s3 =	sand.u32 $0x1, s2  }
0xa: {  	s2 =	simm.s32 $0x0;
	s4 =	sshll.u32 s4, $0xB;
	s5 =	sshll.u32 s3, $0xA  }
0xb: {  	[smem:$0x7FF] =	sst s2;
	s30 =	ssub.s32 $0x2, s3;
	s3 =	sadd.s32 $0x30DA00, s0  }
0xc: {  	s6 =	sor.u32 s5, s4;
	_ =	strace $0x80000047;
	s7 =	sshrl.u32 s30, $0x1  }
0xd: {  	v0 =	vlaneseq.u32;
	s5 =	sadd.s32 s6, s0;
	s31 =	ssub.s32 s30, s7;
	s6 =	sadd.s32 s1, s6  }
0xe: {  	v0 =	vmul.u32 $0x10, v0;
	s4 =	sadd.s32 $0x600, s5;
	s5 =	sadd.s32 $0x8600, s5;
	s7 =	smax.u32 s31, $0x1  }
.LBB2_1:
0xf: {  	[tilespmem:s2], [sflag:$0x5] =	stream.linear.gather [hbm4b:s4+s2], $0x2000, $0x38;
	[tilespmem:$0x16800] =	vst v63  }
0x10: {  	_ =	swait.ge [sflag:s8], $0x2000  }
0x11: {  	[sflag:s8] =	ssyncset.done $0x0  }
0x12: {  	[sflag:s8] =	ssyncadd.s32 $0xFFFFE000  }
0x13: {  	[tilespmem:s9], [sflag:$0x5] =	stream.linear.gather [hbm4b:s5+s2], $0x2000, $0x38;
	[tilespmem:$0x16800] =	vst v63  }
0x14: {  	_ =	swait.ge [sflag:s8], $0x2000  }
0x15: {  	[sflag:s8] =	ssyncset.done $0x0  }
0x16: {  	[sflag:s8] =	ssyncadd.s32 $0xFFFFE000  }
0x17: {  	[tilespmem:s11], [sflag:$0x1] =	stream.indirect.gather [hbm4b:s3+s10], $0x40, s2, s10, $0xb8;
	[tilespmem:$0x16800] =	vst v63  }
0x18: {  	_ = 	snop  }
0x19: {  	[tilespmem:s12], [sflag:$0x1] =	stream.indirect.gather [hbm4b:s3+s10], $0x40, s9, s10, $0xb8;
	[tilespmem:$0x16800] =	vst v63  }
0x1a: {  	_ = 	snop  }
0x1b: {  	[tilespmem:s13], [sflag:$0x2] =	stream.indirect.gather [hbm4b:s3+s10], $0x40, s10, s10, $0xb8;
	[tilespmem:$0x16800] =	vst v63  }
0x1c: {  	s0 =	simm.s32 $0x2080  }
0x1d: {  	[tilespmem:s15], [sflag:$0x2] =	stream.indirect.gather [hbm4b:s3+s10], $0x40, s0, s10, $0xb8;
	[tilespmem:$0x16800] =	vst v63  }
0x1e: {  	s18 =	simm.s32 $0x100  }
0x1f: {  	[tilespmem:s17], [sflag:$0x3] =	stream.indirect.gather [hbm4b:s3+s10], $0x40, s18, s10, $0xb8;
	[tilespmem:$0x16800] =	vst v63  }
0x20: {  	s31 =	simm.s32 $0x2100;
	s30 =	simm.s32 $0x0  }
0x21: {  	[tilespmem:s19], [sflag:$0x3] =	stream.indirect.gather [hbm4b:s3+s10], $0x40, s31, s10, $0xb8;
	[tilespmem:$0x16800] =	vst v63  }
.LBB2_2:
0x22: {  	_ =	swait.ge [sflag:s20], $0x2000  }
0x23: {  	[sflag:s20] =	ssyncset.done $0x0  }
0x24: {  	[sflag:s20] =	ssyncadd.s32 $0xFFFFE000  }
0x25: {  	_ =	swait.ge [sflag:s20], $0x2000  }
0x26: {  	s0 =	sshll.u32 s30, $0x9;
	[sflag:s20] =	ssyncset.done $0x0  }
0x27: {  	s31 =	sor.u32 $0x180, s0;
	[sflag:s20] =	ssyncadd.s32 $0xFFFFE000  }
0x28: {  	[tilespmem:s21], [sflag:$0x4] =	stream.indirect.gather [hbm4b:s3+s10], $0x40, s31, s10, $0xb8;
	[tilespmem:$0x16800] =	vst v63  }
0x29: {  	s16 =	simm.s32 $0x4100;
	s1 =	sadd.s32 $0x2180, s0  }
0x2a: {  	[tilespmem:s22], [sflag:$0x4] =	stream.indirect.gather [hbm4b:s3+s10], $0x40, s1, s10, $0xb8;
	[tilespmem:$0x16800] =	vst v63  }
0x2b: {  	s14 =	simm.s32 $0x6100;
	v1 =	vld [tilespmem:s16+$0xC0]  }
0x2c: {  	v2 =	vld [tilespmem:s14+$0xC0]  }
0x2d: {  	v3 =	vld [tilespmem:s16+$0xD0]  }
0x2e: {  	v4 =	vld [tilespmem:s14+$0xD0]  }
0x2f: {  	v5 =	vld [tilespmem:s16+$0xE0]  }
0x30: {  	v6 =	vld [tilespmem:s14+$0xE0]  }
0x31: {  	v7 =	vld [tilespmem:s16+$0xF0]  }
0x32: {  	v8 =	vld [tilespmem:s14+$0xF0]  }
0x33: {  	v9 =	vld [tilespmem:s14+$0xFFFFFF00]  }
0x34: {  	v10 =	vld [tilespmem:s16+$0xFFFFFF10]  }
0x35: {  	v11 =	vld [tilespmem:s14+$0xFFFFFF10]  }
0x36: {  	v12 =	vld [tilespmem:s16+$0xFFFFFF40]  }
0x37: {  	v13 =	vld [tilespmem:s14+$0xFFFFFF40]  }
0x38: {  	v14 =	vld [tilespmem:s16+$0xFFFFFF50]  }
0x39: {  	v15 =	vld [tilespmem:s14+$0xFFFFFF50]  }
0x3a: {  	v16 =	vld [tilespmem:s16+$0xFFFFFF80]  }
0x3b: {  	v17 =	vld [tilespmem:s14+$0xFFFFFF80]  }
0x3c: {  	v18 =	vld [tilespmem:s16+$0xFFFFFF90]  }
0x3d: {  	v19 =	vld [tilespmem:s14+$0xFFFFFF90]  }
0x3e: {  	v20 =	vld [tilespmem:s16+$0xFFFFFFC0]  }
0x3f: {  	v21 =	vld [tilespmem:s14+$0xFFFFFFC0]  }
0x40: {  	v22 =	vld [tilespmem:s16+$0xFFFFFFD0]  }
0x41: {  	v23 =	vld [tilespmem:s14+$0xFFFFFFD0]  }
0x42: {  	v24 =	vld [tilespmem:s16+$0x0]  }
0x43: {  	v25 =	vld [tilespmem:s14+$0x0]  }
0x44: {  	v26 =	vld [tilespmem:s16+$0x10]  }
0x45: {  	v27 =	vld [tilespmem:s14+$0x10]  }
0x46: {  	v28 =	vld [tilespmem:s16+$0x40]  }
0x47: {  	v29 =	vld [tilespmem:s14+$0x40]  }
0x48: {  	v30 =	vld [tilespmem:s16+$0x50]  }
0x49: {  	v31 =	vld [tilespmem:s14+$0x50]  }
0x4a: {  	v32 =	vld [tilespmem:s16+$0x80]  }
0x4b: {  	v33 =	vld [tilespmem:s14+$0x80]  }
0x4c: {  	v34 =	vld [tilespmem:s16+$0x90]  }
0x4d: {  	v35 =	vld [tilespmem:s14+$0x90]  }
0x4e: {  	v36 =	vld [tilespmem:s16+$0xFFFFFF00]  }
0x4f: {  	v37 =	vld [tilespmem:s16+$0xFFFFFF20]  }
0x50: {  	v39 =	vld [tilespmem:s16+$0xFFFFFF60]  }
0x51: {  	v40 =	vld [tilespmem:s14+$0xFFFFFF60]  }
0x52: {  	v41 =	vld [tilespmem:s16+$0xFFFFFFA0]  }
0x53: {  	v42 =	vld [tilespmem:s14+$0xFFFFFFA0]  }
0x54: {  	v43 =	vld [tilespmem:s16+$0xFFFFFFE0]  }
0x55: {  	v44 =	vld [tilespmem:s14+$0xFFFFFFE0]  }
0x56: {  	v49 =	vld [tilespmem:s16+$0xFFFFFF70]  }
0x57: {  	v51 =	vld [tilespmem:s14+$0xFFFFFF70];
	v1 =	vmul.f32 v2, v1  }
0x58: {  	v38 =	vld [tilespmem:s14+$0xFFFFFF20];
	v2 =	vmul.f32 v4, v3;
	v48 =	vmul.f32 v27, v26  }
0x59: {  	v45 =	vld [tilespmem:s16+$0x20];
	v50 =	vmul.f32 v31, v30;
	v52 =	vmul.f32 v33, v32  }
0x5a: {  	v47 =	vld [tilespmem:s14+$0xFFFFFF30];
	v53 =	vmul.f32 v35, v34;
	v55 =	vmul.f32 v40, v39  }
0x5b: {  	v54 =	vld [tilespmem:s14+$0xFFFFFFB0];
	v57 =	vmul.f32 v42, v41;
	v1 =	vadd.f32 v2, v1;
	v2 =	vmul.f32 v6, v5  }
0x5c: {  	v3 =	vld [tilespmem:s14+$0x20];
	v58 =	vmul.f32 v44, v43;
	v61 =	vmul.f32 v51, v49  }
0x5d: {  	v4 =	vld [tilespmem:s16+$0x60];
	v5 =	vmul.f32 v8, v7;
	v7 =	vmul.f32 v11, v10;
	v1 =	vadd.f32 v2, v1  }
0x5e: {  	v6 =	vld [tilespmem:s14+$0x60];
	v10 =	vmul.f32 v15, v14;
	v2 =	vmul.f32 v13, v12  }
0x5f: {  	v14 =	vld [tilespmem:s16+$0xFFFFFF30];
	v15 =	vadd.f32 v5, v1;
	v1 =	vmul.f32 v21, v20;
	v5 =	vmul.f32 v23, v22  }
0x60: {  	v8 =	vld [tilespmem:s16+$0xA0];
	v12 =	vmul.f32 v17, v16;
	v13 =	vmul.f32 v19, v18  }
0x61: {  	v11 =	vld [tilespmem:s14+$0xA0];
	v17 =	vadd.f32 v53, v52;
	v1 =	vadd.f32 v5, v1;
	v5 =	vmul.f32 v9, v36  }
0x62: {  	v3 =	vmul.f32 v3, v45;
	v2 =	vadd.f32 v10, v2;
	v10 =	vmul.f32 v25, v24;
	v9 =	vld [tilespmem:s16+$0xFFFFFFB0]  }
0x63: {  	v56 =	vld [tilespmem:s16+$0xFFFFFFF0];
	v12 =	vadd.f32 v13, v12;
	v5 =	vadd.f32 v7, v5;
	v7 =	vmul.f32 v38, v37  }
0x64: {  	v59 =	vld [tilespmem:s14+$0xFFFFFFF0];
	v13 =	vmul.f32 v29, v28;
	v14 =	vmul.f32 v47, v14;
	v10 =	vadd.f32 v48, v10  }
0x65: {  	v62 =	vmul.f32 v6, v4;
	v2 =	vadd.f32 v55, v2;
	v60 =	vadd.f32 v7, v5;
	v5 =	vld [tilespmem:s16+$0x30]  }
0x66: {  	s1 =	simm.s32 $0x14040;
	v11 =	vmul.f32 v11, v8;
	v13 =	vadd.f32 v50, v13;
	v12 =	vadd.f32 v57, v12;
	v7 =	vld [tilespmem:s14+$0x30]  }
0x67: {  	v6 =	vld [tilespmem:s16+$0x70];
	[tilespmem:s1+$0x30] =	vst v15;
	v1 =	vadd.f32 v58, v1;
	v15 =	vadd.f32 v61, v2;
	v63 =	vmul.f32 v54, v9  }
0x68: {  	v4 =	vadd.f32 v3, v10;
	v9 =	vld [tilespmem:s14+$0x70];
	v14 =	vadd.f32 v14, v60  }
0x69: {  	v8 =	vld [tilespmem:s16+$0xB0];
	v3 =	vadd.f32 v11, v17;
	[tilespmem:s1+$0xFFFFFFD0] =	vst v15;
	v11 =	vadd.f32 v63, v12;
	v12 =	vmul.f32 v59, v56  }
0x6a: {  	s18 =	simm.s32 $0x4300;
	v2 =	vadd.f32 v62, v13;
	v10 =	vld [tilespmem:s14+$0xB0];
	s16 =	simm.s32 $0x0;
	[tilespmem:s1+$0xFFFFFFC0] =	vst v14  }
.LBB2_3:
0x6b: {  	v13 =	vld [tilespmem:s18+$0xC0];
	[tilespmem:s1+$0xFFFFFFE0] =	vst v11;
	v1 =	vadd.f32 v12, v1;
	v5 =	vmul.f32 v7, v5;
	s14 =	sadd.s32 $0x200, s14  }
0x6c: {  	v7 =	vld [tilespmem:s14+$0xC0]  }
0x6d: {  	v11 =	vld [tilespmem:s18+$0xD0];
	[tilespmem:s1+$0xFFFFFFF0] =	vst v1;
	v1 =	vadd.f32 v5, v4;
	v4 =	vmul.f32 v9, v6  }
0x6e: {  	s16 =	sadd.s32 $0x8, s16;
	v5 =	vld [tilespmem:s14+$0xD0]  }
0x6f: {  	p0 =	slt.u32 s16, $0x78;
	v6 =	vld [tilespmem:s18+$0xE0];
	[tilespmem:s1+$0x0] =	vst v1;
	v1 =	vadd.f32 v4, v2;
	v2 =	vmul.f32 v10, v8  }
0x70: {  	v4 =	vld [tilespmem:s14+$0xE0]  }
0x71: {  	v8 =	vld [tilespmem:s18+$0xF0];
	[tilespmem:s1+$0x10] =	vst v1;
	v1 =	vadd.f32 v2, v3  }
0x72: {  	v2 =	vld [tilespmem:s14+$0xF0]  }
0x73: {  	v7 =	vmul.f32 v7, v13;
	v3 =	vld [tilespmem:s14+$0xFFFFFF00];
	v5 =	vmul.f32 v5, v11;
	[tilespmem:s1+$0x20] =	vst v1  }
0x74: {  	v1 =	vld [tilespmem:s18+$0xFFFFFF10]  }
0x75: {  	v9 =	vld [tilespmem:s14+$0xFFFFFF10];
	v5 =	vadd.f32 v5, v7;
	v4 =	vmul.f32 v4, v6  }
0x76: {  	v6 =	vld [tilespmem:s18+$0xFFFFFF40]  }
0x77: {  	v7 =	vld [tilespmem:s14+$0xFFFFFF40];
	v4 =	vadd.f32 v4, v5;
	v2 =	vmul.f32 v2, v8  }
0x78: {  	v5 =	vld [tilespmem:s18+$0xFFFFFF50]  }
0x79: {  	v8 =	vld [tilespmem:s14+$0xFFFFFF50];
	v2 =	vadd.f32 v2, v4  }
0x7a: {  	s1 =	sadd.s32 $0x80, s1;
	v1 =	vmul.f32 v9, v1;
	v4 =	vld [tilespmem:s18+$0xFFFFFF80]  }
0x7b: {  	v9 =	vld [tilespmem:s14+$0xFFFFFF80];
	[tilespmem:s1+$0x30] =	vst v2  }
0x7c: {  	v2 =	vmul.f32 v7, v6;
	v6 =	vld [tilespmem:s18+$0xFFFFFF90]  }
0x7d: {  	v7 =	vld [tilespmem:s14+$0xFFFFFF90]  }
0x7e: {  	v5 =	vmul.f32 v8, v5;
	v8 =	vld [tilespmem:s18+$0xFFFFFFC0]  }
0x7f: {  	v10 =	vld [tilespmem:s14+$0xFFFFFFC0]  }
0x80: {  	v2 =	vadd.f32 v5, v2;
	v4 =	vmul.f32 v9, v4;
	v5 =	vld [tilespmem:s18+$0xFFFFFFD0]  }
0x81: {  	v9 =	vld [tilespmem:s14+$0xFFFFFFD0]  }
0x82: {  	v6 =	vmul.f32 v7, v6;
	v7 =	vld [tilespmem:s18+$0x0]  }
0x83: {  	v11 =	vld [tilespmem:s14+$0x0]  }
0x84: {  	v4 =	vadd.f32 v6, v4;
	v6 =	vmul.f32 v10, v8;
	v8 =	vld [tilespmem:s18+$0x10]  }
0x85: {  	v10 =	vld [tilespmem:s14+$0x10]  }
0x86: {  	v5 =	vmul.f32 v9, v5;
	v9 =	vld [tilespmem:s18+$0x40]  }
0x87: {  	v12 =	vld [tilespmem:s14+$0x40]  }
0x88: {  	v5 =	vadd.f32 v5, v6;
	v6 =	vmul.f32 v11, v7;
	v7 =	vld [tilespmem:s18+$0x50]  }
0x89: {  	v11 =	vld [tilespmem:s14+$0x50]  }
0x8a: {  	v8 =	vmul.f32 v10, v8;
	v10 =	vld [tilespmem:s18+$0x80]  }
0x8b: {  	v13 =	vld [tilespmem:s14+$0x80]  }
0x8c: {  	v6 =	vadd.f32 v8, v6;
	v8 =	vmul.f32 v12, v9;
	v9 =	vld [tilespmem:s18+$0x90]  }
0x8d: {  	v12 =	vld [tilespmem:s14+$0x90]  }
0x8e: {  	v14 =	vld [tilespmem:s18+$0xFFFFFF00];
	v7 =	vmul.f32 v11, v7  }
0x8f: {  	v11 =	vld [tilespmem:s18+$0xFFFFFF20]  }
0x90: {  	v15 =	vld [tilespmem:s14+$0xFFFFFF20];
	v7 =	vadd.f32 v7, v8;
	v8 =	vmul.f32 v13, v10  }
0x91: {  	v10 =	vld [tilespmem:s18+$0xFFFFFF60]  }
0x92: {  	v13 =	vld [tilespmem:s14+$0xFFFFFF60];
	v9 =	vmul.f32 v12, v9  }
0x93: {  	v3 =	vmul.f32 v3, v14;
	v12 =	vld [tilespmem:s18+$0xFFFFFFA0]  }
0x94: {  	v14 =	vld [tilespmem:s14+$0xFFFFFFA0];
	v8 =	vadd.f32 v9, v8  }
0x95: {  	v1 =	vadd.f32 v1, v3;
	v3 =	vmul.f32 v15, v11;
	v9 =	vld [tilespmem:s18+$0xFFFFFFE0]  }
0x96: {  	v11 =	vld [tilespmem:s14+$0xFFFFFFE0]  }
0x97: {  	v15 =	vadd.f32 v3, v1;
	v1 =	vmul.f32 v13, v10;
	v3 =	vld [tilespmem:s18+$0x20]  }
0x98: {  	v10 =	vld [tilespmem:s14+$0x20]  }
0x99: {  	v13 =	vadd.f32 v1, v2;
	v1 =	vmul.f32 v14, v12;
	v2 =	vld [tilespmem:s18+$0x60]  }
0x9a: {  	v12 =	vld [tilespmem:s14+$0x60]  }
0x9b: {  	v14 =	vadd.f32 v1, v4;
	v1 =	vmul.f32 v11, v9;
	v9 =	vld [tilespmem:s18+$0xA0]  }
0x9c: {  	v11 =	vld [tilespmem:s14+$0xA0]  }
0x9d: {  	v16 =	vld [tilespmem:s18+$0xFFFFFF30];
	v1 =	vadd.f32 v1, v5;
	v3 =	vmul.f32 v10, v3  }
0x9e: {  	v5 =	vld [tilespmem:s14+$0xFFFFFF30]  }
0x9f: {  	v10 =	vld [tilespmem:s18+$0xFFFFFF70];
	v4 =	vadd.f32 v3, v6;
	v2 =	vmul.f32 v12, v2  }
0xa0: {  	v6 =	vld [tilespmem:s14+$0xFFFFFF70]  }
0xa1: {  	v12 =	vld [tilespmem:s18+$0xFFFFFFB0];
	v2 =	vadd.f32 v2, v7;
	v3 =	vmul.f32 v11, v9  }
0xa2: {  	v9 =	vld [tilespmem:s14+$0xFFFFFFB0]  }
0xa3: {  	v5 =	vmul.f32 v5, v16;
	v16 =	vld [tilespmem:s18+$0xFFFFFFF0];
	v3 =	vadd.f32 v3, v8  }
0xa4: {  	v8 =	vld [tilespmem:s14+$0xFFFFFFF0]  }
0xa5: {  	v11 =	vadd.f32 v5, v15;
	v6 =	vmul.f32 v6, v10;
	v5 =	vld [tilespmem:s18+$0x30]  }
.Ltmp0:
0xa6: {  	v7 =	vld [tilespmem:s14+$0x30];
	(pc) =	sbr.rel @p0 .LBB2_3-.Ltmp0, $4  }
0xa7: {  	[tilespmem:s1+$0xFFFFFFC0] =	vst v11;
	v10 =	vadd.f32 v6, v13;
	v11 =	vmul.f32 v9, v12;
	v6 =	vld [tilespmem:s18+$0x70]  }
0xa8: {  	v9 =	vld [tilespmem:s14+$0x70]  }
0xa9: {  	[tilespmem:s1+$0xFFFFFFD0] =	vst v10;
	v11 =	vadd.f32 v11, v14;
	v12 =	vmul.f32 v8, v16;
	v8 =	vld [tilespmem:s18+$0xB0]  }
0xaa: {  	s18 =	sadd.s32 $0x200, s18;
	v10 =	vld [tilespmem:s14+$0xB0]  }
0xab: {  	_ =	sdelay $0x1  }
0xac: {  	v5 =	vmul.f32 v7, v5  }
0xad: {  	v1 =	vadd.f32 v12, v1;
	v6 =	vmul.f32 v9, v6  }
0xae: {  	[tilespmem:s1+$0xFFFFFFE0] =	vst v11;
	v4 =	vadd.f32 v5, v4;
	v63 =	vmul.f32 v10, v8  }
0xaf: {  	[tilespmem:s1+$0xFFFFFFF0] =	vst v1;
	v1 =	vadd.f32 v6, v2  }
0xb0: {  	s18 =	sand.u32 $0x3FFFFE00, s0;
	[tilespmem:s1+$0x0] =	vst v4;
	v2 =	vadd.f32 v63, v3  }
0xb1: {  	s14 =	sadd.s32 $0x14800, s18;
	[tilespmem:s1+$0x10] =	vst v1  }
0xb2: {  	p0 =	por $0x1, $0x1;
	v1 =	vmov s14;
	[tilespmem:s1+$0x20] =	vst v2;
	s1 =	simm.s32 $0x0  }
.LBB2_5:
0xb3: {  	v2 =	vmov s1  }
0xb4: {  	v2 =	vshll.u32 v2, $0x4  }
0xb5: {  	v2 =	vor.u32 v0, v2  }
0xb6: {  	v3 =	vor.u32 $0x1, v2  }
0xb7: {  	v4 =	vor.u32 $0x2, v2  }
0xb8: {  	v5 =	vor.u32 $0x3, v2  }
0xb9: {  	v6 =	vor.u32 $0x4, v2  }
0xba: {  	v7 =	vor.u32 $0x5, v2;
	v8 =	vld.idx.msk [tilespmem:v2+s23+$0x0], $0xffff  }
0xbb: {  	v53 =	vor.u32 $0x7, v2;
	v9 =	vld.idx.msk [tilespmem:v3+s23+$0x0], $0xffff  }
0xbc: {  	v54 =	vor.u32 $0x8, v2;
	v10 =	vld.idx.msk [tilespmem:v4+s23+$0x0], $0xffff  }
0xbd: {  	s16 =	sor.u32 $0x20, s1;
	v55 =	vor.u32 $0x9, v2;
	v11 =	vld.idx.msk [tilespmem:v5+s23+$0x0], $0xffff  }
0xbe: {  	s18 =	sor.u32 $0x30, s1;
	v34 =	vmov s16;
	v56 =	vor.u32 $0xA, v2;
	v12 =	vld.idx.msk [tilespmem:v6+s23+$0x0], $0xffff  }
0xbf: {  	v35 =	vmov s18;
	v34 =	vshll.u32 v34, $0x4;
	v17 =	vor.u32 $0xD, v2;
	v13 =	vld.idx.msk [tilespmem:v7+s23+$0x0], $0xffff  }
0xc0: {  	v35 =	vshll.u32 v35, $0x4;
	v34 =	vor.u32 v0, v34;
	v15 =	vld.idx.msk [tilespmem:v53+s23+$0x0], $0xffff  }
0xc1: {  	v35 =	vor.u32 v0, v35;
	v16 =	vld.idx.msk [tilespmem:v54+s23+$0x0], $0xffff  }
0xc2: {  	v57 =	vor.u32 $0xC, v2;
	v18 =	vld.idx.msk [tilespmem:v55+s23+$0x0], $0xffff  }
0xc3: {  	v36 =	vor.u32 $0x1, v34;
	v7 =	vld.idx.msk [tilespmem:v56+s23+$0x0], $0xffff  }
0xc4: {  	s14 =	sor.u32 $0x10, s1;
	v37 =	vor.u32 $0x1, v35;
	v4 =	vld.idx.msk [tilespmem:v17+s23+$0x0], $0xffff  }
0xc5: {  	v58 =	vmov s14;
	v38 =	vor.u32 $0x2, v34;
	v39 =	vld.idx.msk [tilespmem:v34+s23+$0x0], $0xffff  }
0xc6: {  	v40 =	vor.u32 $0x2, v35;
	v5 =	vshll.u32 v58, $0x4;
	v42 =	vld.idx.msk [tilespmem:v35+s23+$0x0], $0xffff  }
0xc7: {  	v41 =	vor.u32 $0x3, v34;
	v20 =	vor.u32 v0, v5;
	v5 =	vld.idx.msk [tilespmem:v57+s23+$0x0], $0xffff  }
0xc8: {  	v43 =	vor.u32 $0x3, v35;
	v36 =	vld.idx.msk [tilespmem:v36+s23+$0x0], $0xffff  }
0xc9: {  	v44 =	vor.u32 $0x4, v34;
	v37 =	vld.idx.msk [tilespmem:v37+s23+$0x0], $0xffff  }
0xca: {  	v45 =	vor.u32 $0x4, v35;
	v38 =	vld.idx.msk [tilespmem:v38+s23+$0x0], $0xffff  }
0xcb: {  	v63 =	vor.u32 $0x5, v35;
	v40 =	vld.idx.msk [tilespmem:v40+s23+$0x0], $0xffff  }
0xcc: {  	v47 =	vor.u32 $0x6, v34;
	v62 =	vld.idx.msk [tilespmem:v41+s23+$0x0], $0xffff  }
0xcd: {  	v3 =	vor.u32 $0x6, v2;
	v48 =	vld.idx.msk [tilespmem:v43+s23+$0x0], $0xffff  }
0xce: {  	v61 =	vor.u32 $0x5, v34;
	v49 =	vld.idx.msk [tilespmem:v44+s23+$0x0], $0xffff  }
0xcf: {  	v54 =	vor.u32 $0x7, v35;
	v52 =	vld.idx.msk [tilespmem:v45+s23+$0x0], $0xffff  }
0xd0: {  	v56 =	vld.idx.msk [tilespmem:v63+s23+$0x0], $0xffff  }
0xd1: {  	v58 =	vor.u32 $0x8, v35;
	v57 =	vld.idx.msk [tilespmem:v47+s23+$0x0], $0xffff  }
0xd2: {  	v21 =	vor.u32 $0x1, v20;
	v14 =	vld.idx.msk [tilespmem:v3+s23+$0x0], $0xffff  }
0xd3: {  	v59 =	vor.u32 $0x2, v20;
	v8 =	vadd.f32 v9, v8;
	v9 =	vld.idx.msk [tilespmem:v61+s23+$0x0], $0xffff  }
0xd4: {  	v22 =	vor.u32 $0x4, v20;
	v63 =	vld.idx.msk [tilespmem:v54+s23+$0x0], $0xffff  }
0xd5: {  	v24 =	vor.u32 $0x5, v20;
	v23 =	vld.idx.msk [tilespmem:v20+s23+$0x0], $0xffff  }
0xd6: {  	v25 =	vor.u32 $0x6, v20;
	v46 =	vadd.f32 v36, v39;
	v39 =	vld.idx.msk [tilespmem:v58+s23+$0x0], $0xffff  }
0xd7: {  	v26 =	vor.u32 $0x7, v20;
	v21 =	vld.idx.msk [tilespmem:v21+s23+$0x0], $0xffff  }
0xd8: {  	v27 =	vor.u32 $0x8, v20;
	v17 =	vld.idx.msk [tilespmem:v59+s23+$0x0], $0xffff  }
0xd9: {  	v3 =	vor.u32 $0xB, v2;
	v22 =	vld.idx.msk [tilespmem:v22+s23+$0x0], $0xffff  }
0xda: {  	v19 =	vor.u32 $0xE, v2;
	v24 =	vld.idx.msk [tilespmem:v24+s23+$0x0], $0xffff  }
0xdb: {  	v60 =	vor.u32 $0x3, v20;
	v25 =	vld.idx.msk [tilespmem:v25+s23+$0x0], $0xffff  }
0xdc: {  	v28 =	vor.u32 $0x9, v20;
	v26 =	vld.idx.msk [tilespmem:v26+s23+$0x0], $0xffff  }
0xdd: {  	v29 =	vor.u32 $0xA, v20;
	v27 =	vld.idx.msk [tilespmem:v27+s23+$0x0], $0xffff  }
0xde: {  	v30 =	vor.u32 $0xB, v20;
	v6 =	vld.idx.msk [tilespmem:v3+s23+$0x0], $0xffff  }
0xdf: {  	v31 =	vor.u32 $0xC, v20;
	v8 =	vadd.f32 v10, v8;
	v3 =	vld.idx.msk [tilespmem:v19+s23+$0x0], $0xffff  }
0xe0: {  	v32 =	vor.u32 $0xD, v20;
	v19 =	vld.idx.msk [tilespmem:v60+s23+$0x0], $0xffff  }
0xe1: {  	v51 =	vor.u32 $0x7, v34;
	v28 =	vld.idx.msk [tilespmem:v28+s23+$0x0], $0xffff;
	v8 =	vadd.f32 v11, v8;
	v21 =	vadd.f32 v21, v23  }
0xe2: {  	v50 =	vor.u32 $0x6, v35;
	v37 =	vadd.f32 v37, v42;
	v29 =	vld.idx.msk [tilespmem:v29+s23+$0x0], $0xffff;
	v10 =	vadd.f32 v38, v46  }
0xe3: {  	v33 =	vor.u32 $0xE, v20;
	v30 =	vld.idx.msk [tilespmem:v30+s23+$0x0], $0xffff;
	v8 =	vadd.f32 v12, v8;
	v17 =	vadd.f32 v17, v21  }
0xe4: {  	v55 =	vor.u32 $0x8, v34;
	v31 =	vld.idx.msk [tilespmem:v31+s23+$0x0], $0xffff;
	v53 =	vadd.f32 v40, v37;
	v10 =	vadd.f32 v62, v10  }
0xe5: {  	v2 =	vor.u32 $0xF, v2;
	v32 =	vld.idx.msk [tilespmem:v32+s23+$0x0], $0xffff;
	v8 =	vadd.f32 v13, v8;
	v17 =	vadd.f32 v19, v17  }
0xe6: {  	v59 =	vor.u32 $0x9, v34;
	v11 =	vld.idx.msk [tilespmem:v51+s23+$0x0], $0xffff;
	v10 =	vadd.f32 v49, v10;
	v19 =	vadd.f32 v48, v53  }
0xe7: {  	v61 =	vor.u32 $0x9, v35;
	v60 =	vld.idx.msk [tilespmem:v50+s23+$0x0], $0xffff;
	v8 =	vadd.f32 v14, v8;
	v17 =	vadd.f32 v22, v17  }
0xe8: {  	v33 =	vld.idx.msk [tilespmem:v33+s23+$0x0], $0xffff;
	v62 =	vor.u32 $0xA, v34;
	v9 =	vadd.f32 v9, v10;
	v19 =	vadd.f32 v52, v19  }
0xe9: {  	v37 =	vor.u32 $0xA, v35;
	v12 =	vld.idx.msk [tilespmem:v55+s23+$0x0], $0xffff;
	v8 =	vadd.f32 v15, v8;
	v17 =	vadd.f32 v24, v17  }
0xea: {  	v38 =	vor.u32 $0xB, v34;
	v2 =	vld.idx.msk [tilespmem:v2+s23+$0x0], $0xffff;
	v9 =	vadd.f32 v57, v9;
	v19 =	vadd.f32 v56, v19  }
0xeb: {  	v40 =	vor.u32 $0xB, v35;
	v13 =	vld.idx.msk [tilespmem:v59+s23+$0x0], $0xffff;
	v8 =	vadd.f32 v16, v8;
	v17 =	vadd.f32 v25, v17  }
0xec: {  	v41 =	vor.u32 $0xC, v34;
	v42 =	vld.idx.msk [tilespmem:v61+s23+$0x0], $0xffff;
	v9 =	vadd.f32 v11, v9;
	v19 =	vadd.f32 v60, v19  }
0xed: {  	v43 =	vor.u32 $0xC, v35;
	v10 =	vld.idx.msk [tilespmem:v62+s23+$0x0], $0xffff;
	v8 =	vadd.f32 v18, v8;
	v17 =	vadd.f32 v26, v17  }
0xee: {  	v44 =	vor.u32 $0xD, v34;
	v45 =	vld.idx.msk [tilespmem:v37+s23+$0x0], $0xffff;
	v9 =	vadd.f32 v12, v9;
	v14 =	vadd.f32 v63, v19  }
0xef: {  	v46 =	vor.u32 $0xD, v35;
	v15 =	vld.idx.msk [tilespmem:v38+s23+$0x0], $0xffff;
	v7 =	vadd.f32 v7, v8;
	v17 =	vadd.f32 v27, v17  }
0xf0: {  	v49 =	vld.idx.msk [tilespmem:v40+s23+$0x0], $0xffff;
	v48 =	vor.u32 $0xE, v34;
	v47 =	vadd.f32 v13, v9;
	v14 =	vadd.f32 v39, v14  }
0xf1: {  	v50 =	vor.u32 $0xE, v35;
	v11 =	vld.idx.msk [tilespmem:v41+s23+$0x0], $0xffff;
	v6 =	vadd.f32 v6, v7;
	v17 =	vadd.f32 v28, v17  }
0xf2: {  	v53 =	vld.idx.msk [tilespmem:v43+s23+$0x0], $0xffff;
	v52 =	vor.u32 $0xF, v34;
	v51 =	vadd.f32 v10, v47;
	v14 =	vadd.f32 v42, v14  }
0xf3: {  	v20 =	vor.u32 $0xF, v20;
	v12 =	vld.idx.msk [tilespmem:v44+s23+$0x0], $0xffff;
	v5 =	vadd.f32 v5, v6;
	v17 =	vadd.f32 v29, v17  }
0xf4: {  	v54 =	vor.u32 $0xF, v35;
	v56 =	vld.idx.msk [tilespmem:v46+s23+$0x0], $0xffff;
	v55 =	vadd.f32 v15, v51;
	v14 =	vadd.f32 v45, v14  }
0xf5: {  	v9 =	vld.idx.msk [tilespmem:v48+s23+$0x0], $0xffff;
	v4 =	vadd.f32 v4, v5;
	v17 =	vadd.f32 v30, v17  }
0xf6: {  	v59 =	vld.idx.msk [tilespmem:v50+s23+$0x0], $0xffff;
	v58 =	vadd.f32 v11, v55;
	v13 =	vadd.f32 v49, v14  }
0xf7: {  	v8 =	vld.idx.msk [tilespmem:v52+s23+$0x0], $0xffff;
	v3 =	vadd.f32 v3, v4;
	v57 =	vadd.f32 v31, v17  }
0xf8: {  	v20 =	vld.idx.msk [tilespmem:v20+s23+$0x0], $0xffff;
	v61 =	vadd.f32 v12, v58;
	v10 =	vadd.f32 v53, v13  }
0xf9: {  	v62 =	vld.idx.msk [tilespmem:v54+s23+$0x0], $0xffff;
	v2 =	vadd.f32 v2, v3;
	v60 =	vadd.f32 v32, v57  }
0xfa: {  	v3 =	vadd.f32 v9, v61;
	v7 =	vadd.f32 v56, v10  }
0xfb: {  	p1 =	por p0, p0;
	v11 =	vadd.f32 v33, v60  }
.Ltmp1:
0xfc: {  	[tilespmem:v1+s1+$0x0 ss:$0x1] =	vst.idx.msk $0xffff, v2;
	v2 =	vadd.f32 v8, v3;
	v6 =	vadd.f32 v59, v7;
	(pc) =	sbr.rel @p1 .LBB2_5-.Ltmp1, $4  }
0xfd: {  	v63 =	vadd.f32 v20, v11  }
0xfe: {  	[tilespmem:v1+s16+$0x0 ss:$0x1] =	vst.idx.msk $0xffff, v2;
	v3 =	vadd.f32 v62, v6  }
0xff: {  	[tilespmem:v1+s14+$0x0 ss:$0x1] =	vst.idx.msk $0xffff, v63  }
0x100: {  	p0 =	por $0x0, $0x0;
	s1 =	simm.s32 $0x40;
	[tilespmem:v1+s18+$0x0 ss:$0x1] =	vst.idx.msk $0xffff, v3  }
0x101: {  	_ =	swait.ge [sflag:s24], $0x2000  }
0x102: {  	[sflag:s24] =	ssyncset.done $0x0  }
0x103: {  	[sflag:s24] =	ssyncadd.s32 $0xFFFFE000  }
0x104: {  	_ =	swait.ge [sflag:s24], $0x2000  }
0x105: {  	s1 =	sadd.s32 $0x200, s0;
	[sflag:s24] =	ssyncset.done $0x0  }
0x106: {  	s1 =	sand.u32 $0x1E00, s1;
	[sflag:s24] =	ssyncadd.s32 $0xFFFFE000  }
0x107: {  	[tilespmem:s11], [sflag:$0x1] =	stream.indirect.gather [hbm4b:s3+s10], $0x40, s1, s10, $0xb8;
	[tilespmem:$0x16800] =	vst v63  }
0x108: {  	s16 =	simm.s32 $0x8100;
	s1 =	sor.u32 $0x2000, s1  }
0x109: {  	[tilespmem:s12], [sflag:$0x1] =	stream.indirect.gather [hbm4b:s3+s10], $0x40, s1, s10, $0xb8;
	[tilespmem:$0x16800] =	vst v63  }
0x10a: {  	s14 =	simm.s32 $0xA100;
	v1 =	vld [tilespmem:s16+$0xC0]  }
0x10b: {  	v2 =	vld [tilespmem:s14+$0xC0]  }
0x10c: {  	v3 =	vld [tilespmem:s16+$0xD0]  }
0x10d: {  	v4 =	vld [tilespmem:s14+$0xD0]  }
0x10e: {  	v5 =	vld [tilespmem:s16+$0xE0]  }
0x10f: {  	v6 =	vld [tilespmem:s14+$0xE0]  }
0x110: {  	v7 =	vld [tilespmem:s16+$0xF0]  }
0x111: {  	v8 =	vld [tilespmem:s14+$0xF0]  }
0x112: {  	v9 =	vld [tilespmem:s14+$0xFFFFFF00]  }
0x113: {  	v10 =	vld [tilespmem:s16+$0xFFFFFF10]  }
0x114: {  	v11 =	vld [tilespmem:s14+$0xFFFFFF10]  }
0x115: {  	v12 =	vld [tilespmem:s16+$0xFFFFFF40]  }
0x116: {  	v13 =	vld [tilespmem:s14+$0xFFFFFF40]  }
0x117: {  	v14 =	vld [tilespmem:s16+$0xFFFFFF50]  }
0x118: {  	v15 =	vld [tilespmem:s14+$0xFFFFFF50]  }
0x119: {  	v16 =	vld [tilespmem:s16+$0xFFFFFF80]  }
0x11a: {  	v17 =	vld [tilespmem:s14+$0xFFFFFF80]  }
0x11b: {  	v18 =	vld [tilespmem:s16+$0xFFFFFF90]  }
0x11c: {  	v19 =	vld [tilespmem:s14+$0xFFFFFF90]  }
0x11d: {  	v20 =	vld [tilespmem:s16+$0xFFFFFFC0]  }
0x11e: {  	v21 =	vld [tilespmem:s14+$0xFFFFFFC0]  }
0x11f: {  	v22 =	vld [tilespmem:s16+$0xFFFFFFD0]  }
0x120: {  	v23 =	vld [tilespmem:s14+$0xFFFFFFD0]  }
0x121: {  	v24 =	vld [tilespmem:s16+$0x0]  }
0x122: {  	v25 =	vld [tilespmem:s14+$0x0]  }
0x123: {  	v26 =	vld [tilespmem:s16+$0x10]  }
0x124: {  	v27 =	vld [tilespmem:s14+$0x10]  }
0x125: {  	v28 =	vld [tilespmem:s16+$0x40]  }
0x126: {  	v29 =	vld [tilespmem:s14+$0x40]  }
0x127: {  	v30 =	vld [tilespmem:s16+$0x50]  }
0x128: {  	v31 =	vld [tilespmem:s14+$0x50]  }
0x129: {  	v32 =	vld [tilespmem:s16+$0x80]  }
0x12a: {  	v33 =	vld [tilespmem:s14+$0x80]  }
0x12b: {  	v34 =	vld [tilespmem:s16+$0x90]  }
0x12c: {  	v35 =	vld [tilespmem:s14+$0x90]  }
0x12d: {  	v36 =	vld [tilespmem:s16+$0xFFFFFF00]  }
0x12e: {  	v37 =	vld [tilespmem:s16+$0xFFFFFF20]  }
0x12f: {  	v39 =	vld [tilespmem:s16+$0xFFFFFF60]  }
0x130: {  	v40 =	vld [tilespmem:s14+$0xFFFFFF60]  }
0x131: {  	v41 =	vld [tilespmem:s16+$0xFFFFFFA0]  }
0x132: {  	v42 =	vld [tilespmem:s14+$0xFFFFFFA0]  }
0x133: {  	v43 =	vld [tilespmem:s16+$0xFFFFFFE0]  }
0x134: {  	v44 =	vld [tilespmem:s14+$0xFFFFFFE0]  }
0x135: {  	v49 =	vld [tilespmem:s16+$0xFFFFFF70]  }
0x136: {  	v51 =	vld [tilespmem:s14+$0xFFFFFF70];
	v1 =	vmul.f32 v2, v1  }
0x137: {  	v38 =	vld [tilespmem:s14+$0xFFFFFF20];
	v2 =	vmul.f32 v4, v3;
	v48 =	vmul.f32 v27, v26  }
0x138: {  	v45 =	vld [tilespmem:s16+$0x20];
	v50 =	vmul.f32 v31, v30;
	v52 =	vmul.f32 v33, v32  }
0x139: {  	v47 =	vld [tilespmem:s14+$0xFFFFFF30];
	v53 =	vmul.f32 v35, v34;
	v55 =	vmul.f32 v40, v39  }
0x13a: {  	v54 =	vld [tilespmem:s14+$0xFFFFFFB0];
	v57 =	vmul.f32 v42, v41;
	v1 =	vadd.f32 v2, v1;
	v2 =	vmul.f32 v6, v5  }
0x13b: {  	v3 =	vld [tilespmem:s14+$0x20];
	v58 =	vmul.f32 v44, v43;
	v61 =	vmul.f32 v51, v49  }
0x13c: {  	v4 =	vld [tilespmem:s16+$0x60];
	v5 =	vmul.f32 v8, v7;
	v7 =	vmul.f32 v11, v10;
	v1 =	vadd.f32 v2, v1  }
0x13d: {  	v6 =	vld [tilespmem:s14+$0x60];
	v10 =	vmul.f32 v15, v14;
	v2 =	vmul.f32 v13, v12  }
0x13e: {  	v14 =	vld [tilespmem:s16+$0xFFFFFF30];
	v15 =	vadd.f32 v5, v1;
	v1 =	vmul.f32 v21, v20;
	v5 =	vmul.f32 v23, v22  }
0x13f: {  	v8 =	vld [tilespmem:s16+$0xA0];
	v12 =	vmul.f32 v17, v16;
	v13 =	vmul.f32 v19, v18  }
0x140: {  	v11 =	vld [tilespmem:s14+$0xA0];
	v17 =	vadd.f32 v53, v52;
	v1 =	vadd.f32 v5, v1;
	v5 =	vmul.f32 v9, v36  }
0x141: {  	v3 =	vmul.f32 v3, v45;
	v2 =	vadd.f32 v10, v2;
	v10 =	vmul.f32 v25, v24;
	v9 =	vld [tilespmem:s16+$0xFFFFFFB0]  }
0x142: {  	v56 =	vld [tilespmem:s16+$0xFFFFFFF0];
	v12 =	vadd.f32 v13, v12;
	v5 =	vadd.f32 v7, v5;
	v7 =	vmul.f32 v38, v37  }
0x143: {  	v59 =	vld [tilespmem:s14+$0xFFFFFFF0];
	v13 =	vmul.f32 v29, v28;
	v14 =	vmul.f32 v47, v14;
	v10 =	vadd.f32 v48, v10  }
0x144: {  	v62 =	vmul.f32 v6, v4;
	v2 =	vadd.f32 v55, v2;
	v60 =	vadd.f32 v7, v5;
	v5 =	vld [tilespmem:s16+$0x30]  }
0x145: {  	s1 =	simm.s32 $0x14040;
	v11 =	vmul.f32 v11, v8;
	v13 =	vadd.f32 v50, v13;
	v12 =	vadd.f32 v57, v12;
	v7 =	vld [tilespmem:s14+$0x30]  }
0x146: {  	v6 =	vld [tilespmem:s16+$0x70];
	[tilespmem:s1+$0x30] =	vst v15;
	v1 =	vadd.f32 v58, v1;
	v15 =	vadd.f32 v61, v2;
	v63 =	vmul.f32 v54, v9  }
0x147: {  	v4 =	vadd.f32 v3, v10;
	v9 =	vld [tilespmem:s14+$0x70];
	v14 =	vadd.f32 v14, v60  }
0x148: {  	v8 =	vld [tilespmem:s16+$0xB0];
	v3 =	vadd.f32 v11, v17;
	[tilespmem:s1+$0xFFFFFFD0] =	vst v15;
	v11 =	vadd.f32 v63, v12;
	v12 =	vmul.f32 v59, v56  }
0x149: {  	s18 =	simm.s32 $0x8300;
	v2 =	vadd.f32 v62, v13;
	v10 =	vld [tilespmem:s14+$0xB0];
	s16 =	simm.s32 $0x0;
	[tilespmem:s1+$0xFFFFFFC0] =	vst v14  }
.LBB2_7:
0x14a: {  	v13 =	vld [tilespmem:s18+$0xC0];
	[tilespmem:s1+$0xFFFFFFE0] =	vst v11;
	v1 =	vadd.f32 v12, v1;
	v5 =	vmul.f32 v7, v5;
	s14 =	sadd.s32 $0x200, s14  }
0x14b: {  	v7 =	vld [tilespmem:s14+$0xC0]  }
0x14c: {  	v11 =	vld [tilespmem:s18+$0xD0];
	[tilespmem:s1+$0xFFFFFFF0] =	vst v1;
	v1 =	vadd.f32 v5, v4;
	v4 =	vmul.f32 v9, v6  }
0x14d: {  	s16 =	sadd.s32 $0x8, s16;
	v5 =	vld [tilespmem:s14+$0xD0]  }
0x14e: {  	p0 =	slt.u32 s16, $0x78;
	v6 =	vld [tilespmem:s18+$0xE0];
	[tilespmem:s1+$0x0] =	vst v1;
	v1 =	vadd.f32 v4, v2;
	v2 =	vmul.f32 v10, v8  }
0x14f: {  	v4 =	vld [tilespmem:s14+$0xE0]  }
0x150: {  	v8 =	vld [tilespmem:s18+$0xF0];
	[tilespmem:s1+$0x10] =	vst v1;
	v1 =	vadd.f32 v2, v3  }
0x151: {  	v2 =	vld [tilespmem:s14+$0xF0]  }
0x152: {  	v7 =	vmul.f32 v7, v13;
	v3 =	vld [tilespmem:s14+$0xFFFFFF00];
	v5 =	vmul.f32 v5, v11;
	[tilespmem:s1+$0x20] =	vst v1  }
0x153: {  	v1 =	vld [tilespmem:s18+$0xFFFFFF10]  }
0x154: {  	v9 =	vld [tilespmem:s14+$0xFFFFFF10];
	v5 =	vadd.f32 v5, v7;
	v4 =	vmul.f32 v4, v6  }
0x155: {  	v6 =	vld [tilespmem:s18+$0xFFFFFF40]  }
0x156: {  	v7 =	vld [tilespmem:s14+$0xFFFFFF40];
	v4 =	vadd.f32 v4, v5;
	v2 =	vmul.f32 v2, v8  }
0x157: {  	v5 =	vld [tilespmem:s18+$0xFFFFFF50]  }
0x158: {  	v8 =	vld [tilespmem:s14+$0xFFFFFF50];
	v2 =	vadd.f32 v2, v4  }
0x159: {  	s1 =	sadd.s32 $0x80, s1;
	v1 =	vmul.f32 v9, v1;
	v4 =	vld [tilespmem:s18+$0xFFFFFF80]  }
0x15a: {  	v9 =	vld [tilespmem:s14+$0xFFFFFF80];
	[tilespmem:s1+$0x30] =	vst v2  }
0x15b: {  	v2 =	vmul.f32 v7, v6;
	v6 =	vld [tilespmem:s18+$0xFFFFFF90]  }
0x15c: {  	v7 =	vld [tilespmem:s14+$0xFFFFFF90]  }
0x15d: {  	v5 =	vmul.f32 v8, v5;
	v8 =	vld [tilespmem:s18+$0xFFFFFFC0]  }
0x15e: {  	v10 =	vld [tilespmem:s14+$0xFFFFFFC0]  }
0x15f: {  	v2 =	vadd.f32 v5, v2;
	v4 =	vmul.f32 v9, v4;
	v5 =	vld [tilespmem:s18+$0xFFFFFFD0]  }
0x160: {  	v9 =	vld [tilespmem:s14+$0xFFFFFFD0]  }
0x161: {  	v6 =	vmul.f32 v7, v6;
	v7 =	vld [tilespmem:s18+$0x0]  }
0x162: {  	v11 =	vld [tilespmem:s14+$0x0]  }
0x163: {  	v4 =	vadd.f32 v6, v4;
	v6 =	vmul.f32 v10, v8;
	v8 =	vld [tilespmem:s18+$0x10]  }
0x164: {  	v10 =	vld [tilespmem:s14+$0x10]  }
0x165: {  	v5 =	vmul.f32 v9, v5;
	v9 =	vld [tilespmem:s18+$0x40]  }
0x166: {  	v12 =	vld [tilespmem:s14+$0x40]  }
0x167: {  	v5 =	vadd.f32 v5, v6;
	v6 =	vmul.f32 v11, v7;
	v7 =	vld [tilespmem:s18+$0x50]  }
0x168: {  	v11 =	vld [tilespmem:s14+$0x50]  }
0x169: {  	v8 =	vmul.f32 v10, v8;
	v10 =	vld [tilespmem:s18+$0x80]  }
0x16a: {  	v13 =	vld [tilespmem:s14+$0x80]  }
0x16b: {  	v6 =	vadd.f32 v8, v6;
	v8 =	vmul.f32 v12, v9;
	v9 =	vld [tilespmem:s18+$0x90]  }
0x16c: {  	v12 =	vld [tilespmem:s14+$0x90]  }
0x16d: {  	v14 =	vld [tilespmem:s18+$0xFFFFFF00];
	v7 =	vmul.f32 v11, v7  }
0x16e: {  	v11 =	vld [tilespmem:s18+$0xFFFFFF20]  }
0x16f: {  	v15 =	vld [tilespmem:s14+$0xFFFFFF20];
	v7 =	vadd.f32 v7, v8;
	v8 =	vmul.f32 v13, v10  }
0x170: {  	v10 =	vld [tilespmem:s18+$0xFFFFFF60]  }
0x171: {  	v13 =	vld [tilespmem:s14+$0xFFFFFF60];
	v9 =	vmul.f32 v12, v9  }
0x172: {  	v3 =	vmul.f32 v3, v14;
	v12 =	vld [tilespmem:s18+$0xFFFFFFA0]  }
0x173: {  	v14 =	vld [tilespmem:s14+$0xFFFFFFA0];
	v8 =	vadd.f32 v9, v8  }
0x174: {  	v1 =	vadd.f32 v1, v3;
	v3 =	vmul.f32 v15, v11;
	v9 =	vld [tilespmem:s18+$0xFFFFFFE0]  }
0x175: {  	v11 =	vld [tilespmem:s14+$0xFFFFFFE0]  }
0x176: {  	v15 =	vadd.f32 v3, v1;
	v1 =	vmul.f32 v13, v10;
	v3 =	vld [tilespmem:s18+$0x20]  }
0x177: {  	v10 =	vld [tilespmem:s14+$0x20]  }
0x178: {  	v13 =	vadd.f32 v1, v2;
	v1 =	vmul.f32 v14, v12;
	v2 =	vld [tilespmem:s18+$0x60]  }
0x179: {  	v12 =	vld [tilespmem:s14+$0x60]  }
0x17a: {  	v14 =	vadd.f32 v1, v4;
	v1 =	vmul.f32 v11, v9;
	v9 =	vld [tilespmem:s18+$0xA0]  }
0x17b: {  	v11 =	vld [tilespmem:s14+$0xA0]  }
0x17c: {  	v16 =	vld [tilespmem:s18+$0xFFFFFF30];
	v1 =	vadd.f32 v1, v5;
	v3 =	vmul.f32 v10, v3  }
0x17d: {  	v5 =	vld [tilespmem:s14+$0xFFFFFF30]  }
0x17e: {  	v10 =	vld [tilespmem:s18+$0xFFFFFF70];
	v4 =	vadd.f32 v3, v6;
	v2 =	vmul.f32 v12, v2  }
0x17f: {  	v6 =	vld [tilespmem:s14+$0xFFFFFF70]  }
0x180: {  	v12 =	vld [tilespmem:s18+$0xFFFFFFB0];
	v2 =	vadd.f32 v2, v7;
	v3 =	vmul.f32 v11, v9  }
0x181: {  	v9 =	vld [tilespmem:s14+$0xFFFFFFB0]  }
0x182: {  	v5 =	vmul.f32 v5, v16;
	v16 =	vld [tilespmem:s18+$0xFFFFFFF0];
	v3 =	vadd.f32 v3, v8  }
0x183: {  	v8 =	vld [tilespmem:s14+$0xFFFFFFF0]  }
0x184: {  	v11 =	vadd.f32 v5, v15;
	v6 =	vmul.f32 v6, v10;
	v5 =	vld [tilespmem:s18+$0x30]  }
.Ltmp2:
0x185: {  	v7 =	vld [tilespmem:s14+$0x30];
	(pc) =	sbr.rel @p0 .LBB2_7-.Ltmp2, $4  }
0x186: {  	[tilespmem:s1+$0xFFFFFFC0] =	vst v11;
	v10 =	vadd.f32 v6, v13;
	v11 =	vmul.f32 v9, v12;
	v6 =	vld [tilespmem:s18+$0x70]  }
0x187: {  	v9 =	vld [tilespmem:s14+$0x70]  }
0x188: {  	[tilespmem:s1+$0xFFFFFFD0] =	vst v10;
	v11 =	vadd.f32 v11, v14;
	v12 =	vmul.f32 v8, v16;
	v8 =	vld [tilespmem:s18+$0xB0]  }
0x189: {  	s18 =	sadd.s32 $0x200, s18;
	v10 =	vld [tilespmem:s14+$0xB0]  }
0x18a: {  	_ =	sdelay $0x1  }
0x18b: {  	v5 =	vmul.f32 v7, v5  }
0x18c: {  	v1 =	vadd.f32 v12, v1;
	v6 =	vmul.f32 v9, v6  }
0x18d: {  	[tilespmem:s1+$0xFFFFFFE0] =	vst v11;
	v4 =	vadd.f32 v5, v4;
	v63 =	vmul.f32 v10, v8  }
0x18e: {  	[tilespmem:s1+$0xFFFFFFF0] =	vst v1;
	v1 =	vadd.f32 v6, v2  }
0x18f: {  	[tilespmem:s1+$0x0] =	vst v4;
	v2 =	vadd.f32 v63, v3  }
0x190: {  	s14 =	sadd.s32 $0x14880, s0;
	[tilespmem:s1+$0x10] =	vst v1  }
0x191: {  	p0 =	por $0x1, $0x1;
	v1 =	vmov s14;
	[tilespmem:s1+$0x20] =	vst v2;
	s1 =	simm.s32 $0x0  }
.LBB2_9:
0x192: {  	v2 =	vmov s1  }
0x193: {  	v2 =	vshll.u32 v2, $0x4  }
0x194: {  	v2 =	vor.u32 v0, v2  }
0x195: {  	v3 =	vor.u32 $0x1, v2  }
0x196: {  	v4 =	vor.u32 $0x2, v2  }
0x197: {  	v5 =	vor.u32 $0x3, v2  }
0x198: {  	v6 =	vor.u32 $0x4, v2  }
0x199: {  	v7 =	vor.u32 $0x5, v2;
	v8 =	vld.idx.msk [tilespmem:v2+s23+$0x0], $0xffff  }
0x19a: {  	v53 =	vor.u32 $0x7, v2;
	v9 =	vld.idx.msk [tilespmem:v3+s23+$0x0], $0xffff  }
0x19b: {  	v54 =	vor.u32 $0x8, v2;
	v10 =	vld.idx.msk [tilespmem:v4+s23+$0x0], $0xffff  }
0x19c: {  	s16 =	sor.u32 $0x20, s1;
	v55 =	vor.u32 $0x9, v2;
	v11 =	vld.idx.msk [tilespmem:v5+s23+$0x0], $0xffff  }
0x19d: {  	s18 =	sor.u32 $0x30, s1;
	v34 =	vmov s16;
	v56 =	vor.u32 $0xA, v2;
	v12 =	vld.idx.msk [tilespmem:v6+s23+$0x0], $0xffff  }
0x19e: {  	v35 =	vmov s18;
	v34 =	vshll.u32 v34, $0x4;
	v17 =	vor.u32 $0xD, v2;
	v13 =	vld.idx.msk [tilespmem:v7+s23+$0x0], $0xffff  }
0x19f: {  	v35 =	vshll.u32 v35, $0x4;
	v34 =	vor.u32 v0, v34;
	v15 =	vld.idx.msk [tilespmem:v53+s23+$0x0], $0xffff  }
0x1a0: {  	v35 =	vor.u32 v0, v35;
	v16 =	vld.idx.msk [tilespmem:v54+s23+$0x0], $0xffff  }
0x1a1: {  	v57 =	vor.u32 $0xC, v2;
	v18 =	vld.idx.msk [tilespmem:v55+s23+$0x0], $0xffff  }
0x1a2: {  	v36 =	vor.u32 $0x1, v34;
	v7 =	vld.idx.msk [tilespmem:v56+s23+$0x0], $0xffff  }
0x1a3: {  	s14 =	sor.u32 $0x10, s1;
	v37 =	vor.u32 $0x1, v35;
	v4 =	vld.idx.msk [tilespmem:v17+s23+$0x0], $0xffff  }
0x1a4: {  	v58 =	vmov s14;
	v38 =	vor.u32 $0x2, v34;
	v39 =	vld.idx.msk [tilespmem:v34+s23+$0x0], $0xffff  }
0x1a5: {  	v40 =	vor.u32 $0x2, v35;
	v5 =	vshll.u32 v58, $0x4;
	v42 =	vld.idx.msk [tilespmem:v35+s23+$0x0], $0xffff  }
0x1a6: {  	v41 =	vor.u32 $0x3, v34;
	v20 =	vor.u32 v0, v5;
	v5 =	vld.idx.msk [tilespmem:v57+s23+$0x0], $0xffff  }
0x1a7: {  	v43 =	vor.u32 $0x3, v35;
	v36 =	vld.idx.msk [tilespmem:v36+s23+$0x0], $0xffff  }
0x1a8: {  	v44 =	vor.u32 $0x4, v34;
	v37 =	vld.idx.msk [tilespmem:v37+s23+$0x0], $0xffff  }
0x1a9: {  	v45 =	vor.u32 $0x4, v35;
	v38 =	vld.idx.msk [tilespmem:v38+s23+$0x0], $0xffff  }
0x1aa: {  	v63 =	vor.u32 $0x5, v35;
	v40 =	vld.idx.msk [tilespmem:v40+s23+$0x0], $0xffff  }
0x1ab: {  	v47 =	vor.u32 $0x6, v34;
	v62 =	vld.idx.msk [tilespmem:v41+s23+$0x0], $0xffff  }
0x1ac: {  	v3 =	vor.u32 $0x6, v2;
	v48 =	vld.idx.msk [tilespmem:v43+s23+$0x0], $0xffff  }
0x1ad: {  	v61 =	vor.u32 $0x5, v34;
	v49 =	vld.idx.msk [tilespmem:v44+s23+$0x0], $0xffff  }
0x1ae: {  	v54 =	vor.u32 $0x7, v35;
	v52 =	vld.idx.msk [tilespmem:v45+s23+$0x0], $0xffff  }
0x1af: {  	v56 =	vld.idx.msk [tilespmem:v63+s23+$0x0], $0xffff  }
0x1b0: {  	v58 =	vor.u32 $0x8, v35;
	v57 =	vld.idx.msk [tilespmem:v47+s23+$0x0], $0xffff  }
0x1b1: {  	v21 =	vor.u32 $0x1, v20;
	v14 =	vld.idx.msk [tilespmem:v3+s23+$0x0], $0xffff  }
0x1b2: {  	v59 =	vor.u32 $0x2, v20;
	v8 =	vadd.f32 v9, v8;
	v9 =	vld.idx.msk [tilespmem:v61+s23+$0x0], $0xffff  }
0x1b3: {  	v22 =	vor.u32 $0x4, v20;
	v63 =	vld.idx.msk [tilespmem:v54+s23+$0x0], $0xffff  }
0x1b4: {  	v24 =	vor.u32 $0x5, v20;
	v23 =	vld.idx.msk [tilespmem:v20+s23+$0x0], $0xffff  }
0x1b5: {  	v25 =	vor.u32 $0x6, v20;
	v46 =	vadd.f32 v36, v39;
	v39 =	vld.idx.msk [tilespmem:v58+s23+$0x0], $0xffff  }
0x1b6: {  	v26 =	vor.u32 $0x7, v20;
	v21 =	vld.idx.msk [tilespmem:v21+s23+$0x0], $0xffff  }
0x1b7: {  	v27 =	vor.u32 $0x8, v20;
	v17 =	vld.idx.msk [tilespmem:v59+s23+$0x0], $0xffff  }
0x1b8: {  	v3 =	vor.u32 $0xB, v2;
	v22 =	vld.idx.msk [tilespmem:v22+s23+$0x0], $0xffff  }
0x1b9: {  	v19 =	vor.u32 $0xE, v2;
	v24 =	vld.idx.msk [tilespmem:v24+s23+$0x0], $0xffff  }
0x1ba: {  	v60 =	vor.u32 $0x3, v20;
	v25 =	vld.idx.msk [tilespmem:v25+s23+$0x0], $0xffff  }
0x1bb: {  	v28 =	vor.u32 $0x9, v20;
	v26 =	vld.idx.msk [tilespmem:v26+s23+$0x0], $0xffff  }
0x1bc: {  	v29 =	vor.u32 $0xA, v20;
	v27 =	vld.idx.msk [tilespmem:v27+s23+$0x0], $0xffff  }
0x1bd: {  	v30 =	vor.u32 $0xB, v20;
	v6 =	vld.idx.msk [tilespmem:v3+s23+$0x0], $0xffff  }
0x1be: {  	v31 =	vor.u32 $0xC, v20;
	v8 =	vadd.f32 v10, v8;
	v3 =	vld.idx.msk [tilespmem:v19+s23+$0x0], $0xffff  }
0x1bf: {  	v32 =	vor.u32 $0xD, v20;
	v19 =	vld.idx.msk [tilespmem:v60+s23+$0x0], $0xffff  }
0x1c0: {  	v51 =	vor.u32 $0x7, v34;
	v28 =	vld.idx.msk [tilespmem:v28+s23+$0x0], $0xffff;
	v8 =	vadd.f32 v11, v8;
	v21 =	vadd.f32 v21, v23  }
0x1c1: {  	v50 =	vor.u32 $0x6, v35;
	v37 =	vadd.f32 v37, v42;
	v29 =	vld.idx.msk [tilespmem:v29+s23+$0x0], $0xffff;
	v10 =	vadd.f32 v38, v46  }
0x1c2: {  	v33 =	vor.u32 $0xE, v20;
	v30 =	vld.idx.msk [tilespmem:v30+s23+$0x0], $0xffff;
	v8 =	vadd.f32 v12, v8;
	v17 =	vadd.f32 v17, v21  }
0x1c3: {  	v55 =	vor.u32 $0x8, v34;
	v31 =	vld.idx.msk [tilespmem:v31+s23+$0x0], $0xffff;
	v53 =	vadd.f32 v40, v37;
	v10 =	vadd.f32 v62, v10  }
0x1c4: {  	v2 =	vor.u32 $0xF, v2;
	v32 =	vld.idx.msk [tilespmem:v32+s23+$0x0], $0xffff;
	v8 =	vadd.f32 v13, v8;
	v17 =	vadd.f32 v19, v17  }
0x1c5: {  	v59 =	vor.u32 $0x9, v34;
	v11 =	vld.idx.msk [tilespmem:v51+s23+$0x0], $0xffff;
	v10 =	vadd.f32 v49, v10;
	v19 =	vadd.f32 v48, v53  }
0x1c6: {  	v61 =	vor.u32 $0x9, v35;
	v60 =	vld.idx.msk [tilespmem:v50+s23+$0x0], $0xffff;
	v8 =	vadd.f32 v14, v8;
	v17 =	vadd.f32 v22, v17  }
0x1c7: {  	v33 =	vld.idx.msk [tilespmem:v33+s23+$0x0], $0xffff;
	v62 =	vor.u32 $0xA, v34;
	v9 =	vadd.f32 v9, v10;
	v19 =	vadd.f32 v52, v19  }
0x1c8: {  	v37 =	vor.u32 $0xA, v35;
	v12 =	vld.idx.msk [tilespmem:v55+s23+$0x0], $0xffff;
	v8 =	vadd.f32 v15, v8;
	v17 =	vadd.f32 v24, v17  }
0x1c9: {  	v38 =	vor.u32 $0xB, v34;
	v2 =	vld.idx.msk [tilespmem:v2+s23+$0x0], $0xffff;
	v9 =	vadd.f32 v57, v9;
	v19 =	vadd.f32 v56, v19  }
0x1ca: {  	v40 =	vor.u32 $0xB, v35;
	v13 =	vld.idx.msk [tilespmem:v59+s23+$0x0], $0xffff;
	v8 =	vadd.f32 v16, v8;
	v17 =	vadd.f32 v25, v17  }
0x1cb: {  	v41 =	vor.u32 $0xC, v34;
	v42 =	vld.idx.msk [tilespmem:v61+s23+$0x0], $0xffff;
	v9 =	vadd.f32 v11, v9;
	v19 =	vadd.f32 v60, v19  }
0x1cc: {  	v43 =	vor.u32 $0xC, v35;
	v10 =	vld.idx.msk [tilespmem:v62+s23+$0x0], $0xffff;
	v8 =	vadd.f32 v18, v8;
	v17 =	vadd.f32 v26, v17  }
0x1cd: {  	v44 =	vor.u32 $0xD, v34;
	v45 =	vld.idx.msk [tilespmem:v37+s23+$0x0], $0xffff;
	v9 =	vadd.f32 v12, v9;
	v14 =	vadd.f32 v63, v19  }
0x1ce: {  	v46 =	vor.u32 $0xD, v35;
	v15 =	vld.idx.msk [tilespmem:v38+s23+$0x0], $0xffff;
	v7 =	vadd.f32 v7, v8;
	v17 =	vadd.f32 v27, v17  }
0x1cf: {  	v49 =	vld.idx.msk [tilespmem:v40+s23+$0x0], $0xffff;
	v48 =	vor.u32 $0xE, v34;
	v47 =	vadd.f32 v13, v9;
	v14 =	vadd.f32 v39, v14  }
0x1d0: {  	v50 =	vor.u32 $0xE, v35;
	v11 =	vld.idx.msk [tilespmem:v41+s23+$0x0], $0xffff;
	v6 =	vadd.f32 v6, v7;
	v17 =	vadd.f32 v28, v17  }
0x1d1: {  	v53 =	vld.idx.msk [tilespmem:v43+s23+$0x0], $0xffff;
	v52 =	vor.u32 $0xF, v34;
	v51 =	vadd.f32 v10, v47;
	v14 =	vadd.f32 v42, v14  }
0x1d2: {  	v20 =	vor.u32 $0xF, v20;
	v12 =	vld.idx.msk [tilespmem:v44+s23+$0x0], $0xffff;
	v5 =	vadd.f32 v5, v6;
	v17 =	vadd.f32 v29, v17  }
0x1d3: {  	v54 =	vor.u32 $0xF, v35;
	v56 =	vld.idx.msk [tilespmem:v46+s23+$0x0], $0xffff;
	v55 =	vadd.f32 v15, v51;
	v14 =	vadd.f32 v45, v14  }
0x1d4: {  	v9 =	vld.idx.msk [tilespmem:v48+s23+$0x0], $0xffff;
	v4 =	vadd.f32 v4, v5;
	v17 =	vadd.f32 v30, v17  }
0x1d5: {  	v59 =	vld.idx.msk [tilespmem:v50+s23+$0x0], $0xffff;
	v58 =	vadd.f32 v11, v55;
	v13 =	vadd.f32 v49, v14  }
0x1d6: {  	v8 =	vld.idx.msk [tilespmem:v52+s23+$0x0], $0xffff;
	v3 =	vadd.f32 v3, v4;
	v57 =	vadd.f32 v31, v17  }
0x1d7: {  	v20 =	vld.idx.msk [tilespmem:v20+s23+$0x0], $0xffff;
	v61 =	vadd.f32 v12, v58;
	v10 =	vadd.f32 v53, v13  }
0x1d8: {  	v62 =	vld.idx.msk [tilespmem:v54+s23+$0x0], $0xffff;
	v2 =	vadd.f32 v2, v3;
	v60 =	vadd.f32 v32, v57  }
0x1d9: {  	v3 =	vadd.f32 v9, v61;
	v7 =	vadd.f32 v56, v10  }
0x1da: {  	p1 =	por p0, p0;
	v11 =	vadd.f32 v33, v60  }
.Ltmp3:
0x1db: {  	[tilespmem:v1+s1+$0x0 ss:$0x1] =	vst.idx.msk $0xffff, v2;
	v2 =	vadd.f32 v8, v3;
	v6 =	vadd.f32 v59, v7;
	(pc) =	sbr.rel @p1 .LBB2_9-.Ltmp3, $4  }
0x1dc: {  	v63 =	vadd.f32 v20, v11  }
0x1dd: {  	[tilespmem:v1+s16+$0x0 ss:$0x1] =	vst.idx.msk $0xffff, v2;
	v3 =	vadd.f32 v62, v6  }
0x1de: {  	[tilespmem:v1+s14+$0x0 ss:$0x1] =	vst.idx.msk $0xffff, v63  }
0x1df: {  	p0 =	por $0x0, $0x0;
	s1 =	simm.s32 $0x40;
	[tilespmem:v1+s18+$0x0 ss:$0x1] =	vst.idx.msk $0xffff, v3  }
0x1e0: {  	_ =	swait.ge [sflag:s25], $0x2000  }
0x1e1: {  	[sflag:s25] =	ssyncset.done $0x0  }
0x1e2: {  	[sflag:s25] =	ssyncadd.s32 $0xFFFFE000  }
0x1e3: {  	_ =	swait.ge [sflag:s25], $0x2000  }
0x1e4: {  	s1 =	sadd.s32 $0x280, s0;
	[sflag:s25] =	ssyncset.done $0x0  }
0x1e5: {  	s1 =	sand.u32 $0x1E80, s1;
	[sflag:s25] =	ssyncadd.s32 $0xFFFFE000  }
0x1e6: {  	[tilespmem:s13], [sflag:$0x2] =	stream.indirect.gather [hbm4b:s3+s10], $0x40, s1, s10, $0xb8;
	[tilespmem:$0x16800] =	vst v63  }
0x1e7: {  	s16 =	simm.s32 $0xC100;
	s1 =	sor.u32 $0x2000, s1  }
0x1e8: {  	[tilespmem:s15], [sflag:$0x2] =	stream.indirect.gather [hbm4b:s3+s10], $0x40, s1, s10, $0xb8;
	[tilespmem:$0x16800] =	vst v63  }
0x1e9: {  	s14 =	simm.s32 $0xE100;
	v1 =	vld [tilespmem:s16+$0xC0]  }
0x1ea: {  	v2 =	vld [tilespmem:s14+$0xC0]  }
0x1eb: {  	v3 =	vld [tilespmem:s16+$0xD0]  }
0x1ec: {  	v4 =	vld [tilespmem:s14+$0xD0]  }
0x1ed: {  	v5 =	vld [tilespmem:s16+$0xE0]  }
0x1ee: {  	v6 =	vld [tilespmem:s14+$0xE0]  }
0x1ef: {  	v7 =	vld [tilespmem:s16+$0xF0]  }
0x1f0: {  	v8 =	vld [tilespmem:s14+$0xF0]  }
0x1f1: {  	v9 =	vld [tilespmem:s14+$0xFFFFFF00]  }
0x1f2: {  	v10 =	vld [tilespmem:s16+$0xFFFFFF10]  }
0x1f3: {  	v11 =	vld [tilespmem:s14+$0xFFFFFF10]  }
0x1f4: {  	v12 =	vld [tilespmem:s16+$0xFFFFFF40]  }
0x1f5: {  	v13 =	vld [tilespmem:s14+$0xFFFFFF40]  }
0x1f6: {  	v14 =	vld [tilespmem:s16+$0xFFFFFF50]  }
0x1f7: {  	v15 =	vld [tilespmem:s14+$0xFFFFFF50]  }
0x1f8: {  	v16 =	vld [tilespmem:s16+$0xFFFFFF80]  }
0x1f9: {  	v17 =	vld [tilespmem:s14+$0xFFFFFF80]  }
0x1fa: {  	v18 =	vld [tilespmem:s16+$0xFFFFFF90]  }
0x1fb: {  	v19 =	vld [tilespmem:s14+$0xFFFFFF90]  }
0x1fc: {  	v20 =	vld [tilespmem:s16+$0xFFFFFFC0]  }
0x1fd: {  	v21 =	vld [tilespmem:s14+$0xFFFFFFC0]  }
0x1fe: {  	v22 =	vld [tilespmem:s16+$0xFFFFFFD0]  }
0x1ff: {  	v23 =	vld [tilespmem:s14+$0xFFFFFFD0]  }
0x200: {  	v24 =	vld [tilespmem:s16+$0x0]  }
0x201: {  	v25 =	vld [tilespmem:s14+$0x0]  }
0x202: {  	v26 =	vld [tilespmem:s16+$0x10]  }
0x203: {  	v27 =	vld [tilespmem:s14+$0x10]  }
0x204: {  	v28 =	vld [tilespmem:s16+$0x40]  }
0x205: {  	v29 =	vld [tilespmem:s14+$0x40]  }
0x206: {  	v30 =	vld [tilespmem:s16+$0x50]  }
0x207: {  	v31 =	vld [tilespmem:s14+$0x50]  }
0x208: {  	v32 =	vld [tilespmem:s16+$0x80]  }
0x209: {  	v33 =	vld [tilespmem:s14+$0x80]  }
0x20a: {  	v34 =	vld [tilespmem:s16+$0x90]  }
0x20b: {  	v35 =	vld [tilespmem:s14+$0x90]  }
0x20c: {  	v36 =	vld [tilespmem:s16+$0xFFFFFF00]  }
0x20d: {  	v37 =	vld [tilespmem:s16+$0xFFFFFF20]  }
0x20e: {  	v39 =	vld [tilespmem:s16+$0xFFFFFF60]  }
0x20f: {  	v40 =	vld [tilespmem:s14+$0xFFFFFF60]  }
0x210: {  	v41 =	vld [tilespmem:s16+$0xFFFFFFA0]  }
0x211: {  	v42 =	vld [tilespmem:s14+$0xFFFFFFA0]  }
0x212: {  	v43 =	vld [tilespmem:s16+$0xFFFFFFE0]  }
0x213: {  	v44 =	vld [tilespmem:s14+$0xFFFFFFE0]  }
0x214: {  	v49 =	vld [tilespmem:s16+$0xFFFFFF70]  }
0x215: {  	v51 =	vld [tilespmem:s14+$0xFFFFFF70];
	v1 =	vmul.f32 v2, v1  }
0x216: {  	v38 =	vld [tilespmem:s14+$0xFFFFFF20];
	v2 =	vmul.f32 v4, v3;
	v48 =	vmul.f32 v27, v26  }
0x217: {  	v45 =	vld [tilespmem:s16+$0x20];
	v50 =	vmul.f32 v31, v30;
	v52 =	vmul.f32 v33, v32  }
0x218: {  	v47 =	vld [tilespmem:s14+$0xFFFFFF30];
	v53 =	vmul.f32 v35, v34;
	v55 =	vmul.f32 v40, v39  }
0x219: {  	v54 =	vld [tilespmem:s14+$0xFFFFFFB0];
	v57 =	vmul.f32 v42, v41;
	v1 =	vadd.f32 v2, v1;
	v2 =	vmul.f32 v6, v5  }
0x21a: {  	v3 =	vld [tilespmem:s14+$0x20];
	v58 =	vmul.f32 v44, v43;
	v61 =	vmul.f32 v51, v49  }
0x21b: {  	v4 =	vld [tilespmem:s16+$0x60];
	v5 =	vmul.f32 v8, v7;
	v7 =	vmul.f32 v11, v10;
	v1 =	vadd.f32 v2, v1  }
0x21c: {  	v6 =	vld [tilespmem:s14+$0x60];
	v10 =	vmul.f32 v15, v14;
	v2 =	vmul.f32 v13, v12  }
0x21d: {  	v14 =	vld [tilespmem:s16+$0xFFFFFF30];
	v15 =	vadd.f32 v5, v1;
	v1 =	vmul.f32 v21, v20;
	v5 =	vmul.f32 v23, v22  }
0x21e: {  	v8 =	vld [tilespmem:s16+$0xA0];
	v12 =	vmul.f32 v17, v16;
	v13 =	vmul.f32 v19, v18  }
0x21f: {  	v11 =	vld [tilespmem:s14+$0xA0];
	v17 =	vadd.f32 v53, v52;
	v1 =	vadd.f32 v5, v1;
	v5 =	vmul.f32 v9, v36  }
0x220: {  	v3 =	vmul.f32 v3, v45;
	v2 =	vadd.f32 v10, v2;
	v10 =	vmul.f32 v25, v24;
	v9 =	vld [tilespmem:s16+$0xFFFFFFB0]  }
0x221: {  	v56 =	vld [tilespmem:s16+$0xFFFFFFF0];
	v12 =	vadd.f32 v13, v12;
	v5 =	vadd.f32 v7, v5;
	v7 =	vmul.f32 v38, v37  }
0x222: {  	v59 =	vld [tilespmem:s14+$0xFFFFFFF0];
	v13 =	vmul.f32 v29, v28;
	v14 =	vmul.f32 v47, v14;
	v10 =	vadd.f32 v48, v10  }
0x223: {  	v62 =	vmul.f32 v6, v4;
	v2 =	vadd.f32 v55, v2;
	v60 =	vadd.f32 v7, v5;
	v5 =	vld [tilespmem:s16+$0x30]  }
0x224: {  	s1 =	simm.s32 $0x14040;
	v11 =	vmul.f32 v11, v8;
	v13 =	vadd.f32 v50, v13;
	v12 =	vadd.f32 v57, v12;
	v7 =	vld [tilespmem:s14+$0x30]  }
0x225: {  	v6 =	vld [tilespmem:s16+$0x70];
	[tilespmem:s1+$0x30] =	vst v15;
	v1 =	vadd.f32 v58, v1;
	v15 =	vadd.f32 v61, v2;
	v63 =	vmul.f32 v54, v9  }
0x226: {  	v4 =	vadd.f32 v3, v10;
	v9 =	vld [tilespmem:s14+$0x70];
	v14 =	vadd.f32 v14, v60  }
0x227: {  	v8 =	vld [tilespmem:s16+$0xB0];
	v3 =	vadd.f32 v11, v17;
	[tilespmem:s1+$0xFFFFFFD0] =	vst v15;
	v11 =	vadd.f32 v63, v12;
	v12 =	vmul.f32 v59, v56  }
0x228: {  	s18 =	simm.s32 $0xC300;
	v2 =	vadd.f32 v62, v13;
	v10 =	vld [tilespmem:s14+$0xB0];
	s16 =	simm.s32 $0x0;
	[tilespmem:s1+$0xFFFFFFC0] =	vst v14  }
.LBB2_11:
0x229: {  	v13 =	vld [tilespmem:s18+$0xC0];
	[tilespmem:s1+$0xFFFFFFE0] =	vst v11;
	v1 =	vadd.f32 v12, v1;
	v5 =	vmul.f32 v7, v5;
	s14 =	sadd.s32 $0x200, s14  }
0x22a: {  	v7 =	vld [tilespmem:s14+$0xC0]  }
0x22b: {  	v11 =	vld [tilespmem:s18+$0xD0];
	[tilespmem:s1+$0xFFFFFFF0] =	vst v1;
	v1 =	vadd.f32 v5, v4;
	v4 =	vmul.f32 v9, v6  }
0x22c: {  	s16 =	sadd.s32 $0x8, s16;
	v5 =	vld [tilespmem:s14+$0xD0]  }
0x22d: {  	p0 =	slt.u32 s16, $0x78;
	v6 =	vld [tilespmem:s18+$0xE0];
	[tilespmem:s1+$0x0] =	vst v1;
	v1 =	vadd.f32 v4, v2;
	v2 =	vmul.f32 v10, v8  }
0x22e: {  	v4 =	vld [tilespmem:s14+$0xE0]  }
0x22f: {  	v8 =	vld [tilespmem:s18+$0xF0];
	[tilespmem:s1+$0x10] =	vst v1;
	v1 =	vadd.f32 v2, v3  }
0x230: {  	v2 =	vld [tilespmem:s14+$0xF0]  }
0x231: {  	v7 =	vmul.f32 v7, v13;
	v3 =	vld [tilespmem:s14+$0xFFFFFF00];
	v5 =	vmul.f32 v5, v11;
	[tilespmem:s1+$0x20] =	vst v1  }
0x232: {  	v1 =	vld [tilespmem:s18+$0xFFFFFF10]  }
0x233: {  	v9 =	vld [tilespmem:s14+$0xFFFFFF10];
	v5 =	vadd.f32 v5, v7;
	v4 =	vmul.f32 v4, v6  }
0x234: {  	v6 =	vld [tilespmem:s18+$0xFFFFFF40]  }
0x235: {  	v7 =	vld [tilespmem:s14+$0xFFFFFF40];
	v4 =	vadd.f32 v4, v5;
	v2 =	vmul.f32 v2, v8  }
0x236: {  	v5 =	vld [tilespmem:s18+$0xFFFFFF50]  }
0x237: {  	v8 =	vld [tilespmem:s14+$0xFFFFFF50];
	v2 =	vadd.f32 v2, v4  }
0x238: {  	s1 =	sadd.s32 $0x80, s1;
	v1 =	vmul.f32 v9, v1;
	v4 =	vld [tilespmem:s18+$0xFFFFFF80]  }
0x239: {  	v9 =	vld [tilespmem:s14+$0xFFFFFF80];
	[tilespmem:s1+$0x30] =	vst v2  }
0x23a: {  	v2 =	vmul.f32 v7, v6;
	v6 =	vld [tilespmem:s18+$0xFFFFFF90]  }
0x23b: {  	v7 =	vld [tilespmem:s14+$0xFFFFFF90]  }
0x23c: {  	v5 =	vmul.f32 v8, v5;
	v8 =	vld [tilespmem:s18+$0xFFFFFFC0]  }
0x23d: {  	v10 =	vld [tilespmem:s14+$0xFFFFFFC0]  }
0x23e: {  	v2 =	vadd.f32 v5, v2;
	v4 =	vmul.f32 v9, v4;
	v5 =	vld [tilespmem:s18+$0xFFFFFFD0]  }
0x23f: {  	v9 =	vld [tilespmem:s14+$0xFFFFFFD0]  }
0x240: {  	v6 =	vmul.f32 v7, v6;
	v7 =	vld [tilespmem:s18+$0x0]  }
0x241: {  	v11 =	vld [tilespmem:s14+$0x0]  }
0x242: {  	v4 =	vadd.f32 v6, v4;
	v6 =	vmul.f32 v10, v8;
	v8 =	vld [tilespmem:s18+$0x10]  }
0x243: {  	v10 =	vld [tilespmem:s14+$0x10]  }
0x244: {  	v5 =	vmul.f32 v9, v5;
	v9 =	vld [tilespmem:s18+$0x40]  }
0x245: {  	v12 =	vld [tilespmem:s14+$0x40]  }
0x246: {  	v5 =	vadd.f32 v5, v6;
	v6 =	vmul.f32 v11, v7;
	v7 =	vld [tilespmem:s18+$0x50]  }
0x247: {  	v11 =	vld [tilespmem:s14+$0x50]  }
0x248: {  	v8 =	vmul.f32 v10, v8;
	v10 =	vld [tilespmem:s18+$0x80]  }
0x249: {  	v13 =	vld [tilespmem:s14+$0x80]  }
0x24a: {  	v6 =	vadd.f32 v8, v6;
	v8 =	vmul.f32 v12, v9;
	v9 =	vld [tilespmem:s18+$0x90]  }
0x24b: {  	v12 =	vld [tilespmem:s14+$0x90]  }
0x24c: {  	v14 =	vld [tilespmem:s18+$0xFFFFFF00];
	v7 =	vmul.f32 v11, v7  }
0x24d: {  	v11 =	vld [tilespmem:s18+$0xFFFFFF20]  }
0x24e: {  	v15 =	vld [tilespmem:s14+$0xFFFFFF20];
	v7 =	vadd.f32 v7, v8;
	v8 =	vmul.f32 v13, v10  }
0x24f: {  	v10 =	vld [tilespmem:s18+$0xFFFFFF60]  }
0x250: {  	v13 =	vld [tilespmem:s14+$0xFFFFFF60];
	v9 =	vmul.f32 v12, v9  }
0x251: {  	v3 =	vmul.f32 v3, v14;
	v12 =	vld [tilespmem:s18+$0xFFFFFFA0]  }
0x252: {  	v14 =	vld [tilespmem:s14+$0xFFFFFFA0];
	v8 =	vadd.f32 v9, v8  }
0x253: {  	v1 =	vadd.f32 v1, v3;
	v3 =	vmul.f32 v15, v11;
	v9 =	vld [tilespmem:s18+$0xFFFFFFE0]  }
0x254: {  	v11 =	vld [tilespmem:s14+$0xFFFFFFE0]  }
0x255: {  	v15 =	vadd.f32 v3, v1;
	v1 =	vmul.f32 v13, v10;
	v3 =	vld [tilespmem:s18+$0x20]  }
0x256: {  	v10 =	vld [tilespmem:s14+$0x20]  }
0x257: {  	v13 =	vadd.f32 v1, v2;
	v1 =	vmul.f32 v14, v12;
	v2 =	vld [tilespmem:s18+$0x60]  }
0x258: {  	v12 =	vld [tilespmem:s14+$0x60]  }
0x259: {  	v14 =	vadd.f32 v1, v4;
	v1 =	vmul.f32 v11, v9;
	v9 =	vld [tilespmem:s18+$0xA0]  }
0x25a: {  	v11 =	vld [tilespmem:s14+$0xA0]  }
0x25b: {  	v16 =	vld [tilespmem:s18+$0xFFFFFF30];
	v1 =	vadd.f32 v1, v5;
	v3 =	vmul.f32 v10, v3  }
0x25c: {  	v5 =	vld [tilespmem:s14+$0xFFFFFF30]  }
0x25d: {  	v10 =	vld [tilespmem:s18+$0xFFFFFF70];
	v4 =	vadd.f32 v3, v6;
	v2 =	vmul.f32 v12, v2  }
0x25e: {  	v6 =	vld [tilespmem:s14+$0xFFFFFF70]  }
0x25f: {  	v12 =	vld [tilespmem:s18+$0xFFFFFFB0];
	v2 =	vadd.f32 v2, v7;
	v3 =	vmul.f32 v11, v9  }
0x260: {  	v9 =	vld [tilespmem:s14+$0xFFFFFFB0]  }
0x261: {  	v5 =	vmul.f32 v5, v16;
	v16 =	vld [tilespmem:s18+$0xFFFFFFF0];
	v3 =	vadd.f32 v3, v8  }
0x262: {  	v8 =	vld [tilespmem:s14+$0xFFFFFFF0]  }
0x263: {  	v11 =	vadd.f32 v5, v15;
	v6 =	vmul.f32 v6, v10;
	v5 =	vld [tilespmem:s18+$0x30]  }
.Ltmp4:
0x264: {  	v7 =	vld [tilespmem:s14+$0x30];
	(pc) =	sbr.rel @p0 .LBB2_11-.Ltmp4, $4  }
0x265: {  	[tilespmem:s1+$0xFFFFFFC0] =	vst v11;
	v10 =	vadd.f32 v6, v13;
	v11 =	vmul.f32 v9, v12;
	v6 =	vld [tilespmem:s18+$0x70]  }
0x266: {  	v9 =	vld [tilespmem:s14+$0x70]  }
0x267: {  	[tilespmem:s1+$0xFFFFFFD0] =	vst v10;
	v11 =	vadd.f32 v11, v14;
	v12 =	vmul.f32 v8, v16;
	v8 =	vld [tilespmem:s18+$0xB0]  }
0x268: {  	s18 =	sadd.s32 $0x200, s18;
	v10 =	vld [tilespmem:s14+$0xB0]  }
0x269: {  	_ =	sdelay $0x1  }
0x26a: {  	v5 =	vmul.f32 v7, v5  }
0x26b: {  	v1 =	vadd.f32 v12, v1;
	v6 =	vmul.f32 v9, v6  }
0x26c: {  	[tilespmem:s1+$0xFFFFFFE0] =	vst v11;
	v4 =	vadd.f32 v5, v4;
	v63 =	vmul.f32 v10, v8  }
0x26d: {  	[tilespmem:s1+$0xFFFFFFF0] =	vst v1;
	v1 =	vadd.f32 v6, v2  }
0x26e: {  	[tilespmem:s1+$0x0] =	vst v4;
	v2 =	vadd.f32 v63, v3  }
0x26f: {  	s14 =	sadd.s32 $0x14900, s0;
	[tilespmem:s1+$0x10] =	vst v1  }
0x270: {  	p0 =	por $0x1, $0x1;
	v1 =	vmov s14;
	[tilespmem:s1+$0x20] =	vst v2;
	s1 =	simm.s32 $0x0  }
.LBB2_13:
0x271: {  	v2 =	vmov s1  }
0x272: {  	v2 =	vshll.u32 v2, $0x4  }
0x273: {  	v2 =	vor.u32 v0, v2  }
0x274: {  	v3 =	vor.u32 $0x1, v2  }
0x275: {  	v4 =	vor.u32 $0x2, v2  }
0x276: {  	v5 =	vor.u32 $0x3, v2  }
0x277: {  	v6 =	vor.u32 $0x4, v2  }
0x278: {  	v7 =	vor.u32 $0x5, v2;
	v8 =	vld.idx.msk [tilespmem:v2+s23+$0x0], $0xffff  }
0x279: {  	v53 =	vor.u32 $0x7, v2;
	v9 =	vld.idx.msk [tilespmem:v3+s23+$0x0], $0xffff  }
0x27a: {  	v54 =	vor.u32 $0x8, v2;
	v10 =	vld.idx.msk [tilespmem:v4+s23+$0x0], $0xffff  }
0x27b: {  	s16 =	sor.u32 $0x20, s1;
	v55 =	vor.u32 $0x9, v2;
	v11 =	vld.idx.msk [tilespmem:v5+s23+$0x0], $0xffff  }
0x27c: {  	s18 =	sor.u32 $0x30, s1;
	v34 =	vmov s16;
	v56 =	vor.u32 $0xA, v2;
	v12 =	vld.idx.msk [tilespmem:v6+s23+$0x0], $0xffff  }
0x27d: {  	v35 =	vmov s18;
	v34 =	vshll.u32 v34, $0x4;
	v17 =	vor.u32 $0xD, v2;
	v13 =	vld.idx.msk [tilespmem:v7+s23+$0x0], $0xffff  }
0x27e: {  	v35 =	vshll.u32 v35, $0x4;
	v34 =	vor.u32 v0, v34;
	v15 =	vld.idx.msk [tilespmem:v53+s23+$0x0], $0xffff  }
0x27f: {  	v35 =	vor.u32 v0, v35;
	v16 =	vld.idx.msk [tilespmem:v54+s23+$0x0], $0xffff  }
0x280: {  	v57 =	vor.u32 $0xC, v2;
	v18 =	vld.idx.msk [tilespmem:v55+s23+$0x0], $0xffff  }
0x281: {  	v36 =	vor.u32 $0x1, v34;
	v7 =	vld.idx.msk [tilespmem:v56+s23+$0x0], $0xffff  }
0x282: {  	s14 =	sor.u32 $0x10, s1;
	v37 =	vor.u32 $0x1, v35;
	v4 =	vld.idx.msk [tilespmem:v17+s23+$0x0], $0xffff  }
0x283: {  	v58 =	vmov s14;
	v38 =	vor.u32 $0x2, v34;
	v39 =	vld.idx.msk [tilespmem:v34+s23+$0x0], $0xffff  }
0x284: {  	v40 =	vor.u32 $0x2, v35;
	v5 =	vshll.u32 v58, $0x4;
	v42 =	vld.idx.msk [tilespmem:v35+s23+$0x0], $0xffff  }
0x285: {  	v41 =	vor.u32 $0x3, v34;
	v20 =	vor.u32 v0, v5;
	v5 =	vld.idx.msk [tilespmem:v57+s23+$0x0], $0xffff  }
0x286: {  	v43 =	vor.u32 $0x3, v35;
	v36 =	vld.idx.msk [tilespmem:v36+s23+$0x0], $0xffff  }
0x287: {  	v44 =	vor.u32 $0x4, v34;
	v37 =	vld.idx.msk [tilespmem:v37+s23+$0x0], $0xffff  }
0x288: {  	v45 =	vor.u32 $0x4, v35;
	v38 =	vld.idx.msk [tilespmem:v38+s23+$0x0], $0xffff  }
0x289: {  	v63 =	vor.u32 $0x5, v35;
	v40 =	vld.idx.msk [tilespmem:v40+s23+$0x0], $0xffff  }
0x28a: {  	v47 =	vor.u32 $0x6, v34;
	v62 =	vld.idx.msk [tilespmem:v41+s23+$0x0], $0xffff  }
0x28b: {  	v3 =	vor.u32 $0x6, v2;
	v48 =	vld.idx.msk [tilespmem:v43+s23+$0x0], $0xffff  }
0x28c: {  	v61 =	vor.u32 $0x5, v34;
	v49 =	vld.idx.msk [tilespmem:v44+s23+$0x0], $0xffff  }
0x28d: {  	v54 =	vor.u32 $0x7, v35;
	v52 =	vld.idx.msk [tilespmem:v45+s23+$0x0], $0xffff  }
0x28e: {  	v56 =	vld.idx.msk [tilespmem:v63+s23+$0x0], $0xffff  }
0x28f: {  	v58 =	vor.u32 $0x8, v35;
	v57 =	vld.idx.msk [tilespmem:v47+s23+$0x0], $0xffff  }
0x290: {  	v21 =	vor.u32 $0x1, v20;
	v14 =	vld.idx.msk [tilespmem:v3+s23+$0x0], $0xffff  }
0x291: {  	v59 =	vor.u32 $0x2, v20;
	v8 =	vadd.f32 v9, v8;
	v9 =	vld.idx.msk [tilespmem:v61+s23+$0x0], $0xffff  }
0x292: {  	v22 =	vor.u32 $0x4, v20;
	v63 =	vld.idx.msk [tilespmem:v54+s23+$0x0], $0xffff  }
0x293: {  	v24 =	vor.u32 $0x5, v20;
	v23 =	vld.idx.msk [tilespmem:v20+s23+$0x0], $0xffff  }
0x294: {  	v25 =	vor.u32 $0x6, v20;
	v46 =	vadd.f32 v36, v39;
	v39 =	vld.idx.msk [tilespmem:v58+s23+$0x0], $0xffff  }
0x295: {  	v26 =	vor.u32 $0x7, v20;
	v21 =	vld.idx.msk [tilespmem:v21+s23+$0x0], $0xffff  }
0x296: {  	v27 =	vor.u32 $0x8, v20;
	v17 =	vld.idx.msk [tilespmem:v59+s23+$0x0], $0xffff  }
0x297: {  	v3 =	vor.u32 $0xB, v2;
	v22 =	vld.idx.msk [tilespmem:v22+s23+$0x0], $0xffff  }
0x298: {  	v19 =	vor.u32 $0xE, v2;
	v24 =	vld.idx.msk [tilespmem:v24+s23+$0x0], $0xffff  }
0x299: {  	v60 =	vor.u32 $0x3, v20;
	v25 =	vld.idx.msk [tilespmem:v25+s23+$0x0], $0xffff  }
0x29a: {  	v28 =	vor.u32 $0x9, v20;
	v26 =	vld.idx.msk [tilespmem:v26+s23+$0x0], $0xffff  }
0x29b: {  	v29 =	vor.u32 $0xA, v20;
	v27 =	vld.idx.msk [tilespmem:v27+s23+$0x0], $0xffff  }
0x29c: {  	v30 =	vor.u32 $0xB, v20;
	v6 =	vld.idx.msk [tilespmem:v3+s23+$0x0], $0xffff  }
0x29d: {  	v31 =	vor.u32 $0xC, v20;
	v8 =	vadd.f32 v10, v8;
	v3 =	vld.idx.msk [tilespmem:v19+s23+$0x0], $0xffff  }
0x29e: {  	v32 =	vor.u32 $0xD, v20;
	v19 =	vld.idx.msk [tilespmem:v60+s23+$0x0], $0xffff  }
0x29f: {  	v51 =	vor.u32 $0x7, v34;
	v28 =	vld.idx.msk [tilespmem:v28+s23+$0x0], $0xffff;
	v8 =	vadd.f32 v11, v8;
	v21 =	vadd.f32 v21, v23  }
0x2a0: {  	v50 =	vor.u32 $0x6, v35;
	v37 =	vadd.f32 v37, v42;
	v29 =	vld.idx.msk [tilespmem:v29+s23+$0x0], $0xffff;
	v10 =	vadd.f32 v38, v46  }
0x2a1: {  	v33 =	vor.u32 $0xE, v20;
	v30 =	vld.idx.msk [tilespmem:v30+s23+$0x0], $0xffff;
	v8 =	vadd.f32 v12, v8;
	v17 =	vadd.f32 v17, v21  }
0x2a2: {  	v55 =	vor.u32 $0x8, v34;
	v31 =	vld.idx.msk [tilespmem:v31+s23+$0x0], $0xffff;
	v53 =	vadd.f32 v40, v37;
	v10 =	vadd.f32 v62, v10  }
0x2a3: {  	v2 =	vor.u32 $0xF, v2;
	v32 =	vld.idx.msk [tilespmem:v32+s23+$0x0], $0xffff;
	v8 =	vadd.f32 v13, v8;
	v17 =	vadd.f32 v19, v17  }
0x2a4: {  	v59 =	vor.u32 $0x9, v34;
	v11 =	vld.idx.msk [tilespmem:v51+s23+$0x0], $0xffff;
	v10 =	vadd.f32 v49, v10;
	v19 =	vadd.f32 v48, v53  }
0x2a5: {  	v61 =	vor.u32 $0x9, v35;
	v60 =	vld.idx.msk [tilespmem:v50+s23+$0x0], $0xffff;
	v8 =	vadd.f32 v14, v8;
	v17 =	vadd.f32 v22, v17  }
0x2a6: {  	v33 =	vld.idx.msk [tilespmem:v33+s23+$0x0], $0xffff;
	v62 =	vor.u32 $0xA, v34;
	v9 =	vadd.f32 v9, v10;
	v19 =	vadd.f32 v52, v19  }
0x2a7: {  	v37 =	vor.u32 $0xA, v35;
	v12 =	vld.idx.msk [tilespmem:v55+s23+$0x0], $0xffff;
	v8 =	vadd.f32 v15, v8;
	v17 =	vadd.f32 v24, v17  }
0x2a8: {  	v38 =	vor.u32 $0xB, v34;
	v2 =	vld.idx.msk [tilespmem:v2+s23+$0x0], $0xffff;
	v9 =	vadd.f32 v57, v9;
	v19 =	vadd.f32 v56, v19  }
0x2a9: {  	v40 =	vor.u32 $0xB, v35;
	v13 =	vld.idx.msk [tilespmem:v59+s23+$0x0], $0xffff;
	v8 =	vadd.f32 v16, v8;
	v17 =	vadd.f32 v25, v17  }
0x2aa: {  	v41 =	vor.u32 $0xC, v34;
	v42 =	vld.idx.msk [tilespmem:v61+s23+$0x0], $0xffff;
	v9 =	vadd.f32 v11, v9;
	v19 =	vadd.f32 v60, v19  }
0x2ab: {  	v43 =	vor.u32 $0xC, v35;
	v10 =	vld.idx.msk [tilespmem:v62+s23+$0x0], $0xffff;
	v8 =	vadd.f32 v18, v8;
	v17 =	vadd.f32 v26, v17  }
0x2ac: {  	v44 =	vor.u32 $0xD, v34;
	v45 =	vld.idx.msk [tilespmem:v37+s23+$0x0], $0xffff;
	v9 =	vadd.f32 v12, v9;
	v14 =	vadd.f32 v63, v19  }
0x2ad: {  	v46 =	vor.u32 $0xD, v35;
	v15 =	vld.idx.msk [tilespmem:v38+s23+$0x0], $0xffff;
	v7 =	vadd.f32 v7, v8;
	v17 =	vadd.f32 v27, v17  }
0x2ae: {  	v49 =	vld.idx.msk [tilespmem:v40+s23+$0x0], $0xffff;
	v48 =	vor.u32 $0xE, v34;
	v47 =	vadd.f32 v13, v9;
	v14 =	vadd.f32 v39, v14  }
0x2af: {  	v50 =	vor.u32 $0xE, v35;
	v11 =	vld.idx.msk [tilespmem:v41+s23+$0x0], $0xffff;
	v6 =	vadd.f32 v6, v7;
	v17 =	vadd.f32 v28, v17  }
0x2b0: {  	v53 =	vld.idx.msk [tilespmem:v43+s23+$0x0], $0xffff;
	v52 =	vor.u32 $0xF, v34;
	v51 =	vadd.f32 v10, v47;
	v14 =	vadd.f32 v42, v14  }
0x2b1: {  	v20 =	vor.u32 $0xF, v20;
	v12 =	vld.idx.msk [tilespmem:v44+s23+$0x0], $0xffff;
	v5 =	vadd.f32 v5, v6;
	v17 =	vadd.f32 v29, v17  }
0x2b2: {  	v54 =	vor.u32 $0xF, v35;
	v56 =	vld.idx.msk [tilespmem:v46+s23+$0x0], $0xffff;
	v55 =	vadd.f32 v15, v51;
	v14 =	vadd.f32 v45, v14  }
0x2b3: {  	v9 =	vld.idx.msk [tilespmem:v48+s23+$0x0], $0xffff;
	v4 =	vadd.f32 v4, v5;
	v17 =	vadd.f32 v30, v17  }
0x2b4: {  	v59 =	vld.idx.msk [tilespmem:v50+s23+$0x0], $0xffff;
	v58 =	vadd.f32 v11, v55;
	v13 =	vadd.f32 v49, v14  }
0x2b5: {  	v8 =	vld.idx.msk [tilespmem:v52+s23+$0x0], $0xffff;
	v3 =	vadd.f32 v3, v4;
	v57 =	vadd.f32 v31, v17  }
0x2b6: {  	v20 =	vld.idx.msk [tilespmem:v20+s23+$0x0], $0xffff;
	v61 =	vadd.f32 v12, v58;
	v10 =	vadd.f32 v53, v13  }
0x2b7: {  	v62 =	vld.idx.msk [tilespmem:v54+s23+$0x0], $0xffff;
	v2 =	vadd.f32 v2, v3;
	v60 =	vadd.f32 v32, v57  }
0x2b8: {  	v3 =	vadd.f32 v9, v61;
	v7 =	vadd.f32 v56, v10  }
0x2b9: {  	p1 =	por p0, p0;
	v11 =	vadd.f32 v33, v60  }
.Ltmp5:
0x2ba: {  	[tilespmem:v1+s1+$0x0 ss:$0x1] =	vst.idx.msk $0xffff, v2;
	v2 =	vadd.f32 v8, v3;
	v6 =	vadd.f32 v59, v7;
	(pc) =	sbr.rel @p1 .LBB2_13-.Ltmp5, $4  }
0x2bb: {  	v63 =	vadd.f32 v20, v11  }
0x2bc: {  	[tilespmem:v1+s16+$0x0 ss:$0x1] =	vst.idx.msk $0xffff, v2;
	v3 =	vadd.f32 v62, v6  }
0x2bd: {  	[tilespmem:v1+s14+$0x0 ss:$0x1] =	vst.idx.msk $0xffff, v63  }
0x2be: {  	p0 =	por $0x0, $0x0;
	s1 =	simm.s32 $0x40;
	[tilespmem:v1+s18+$0x0 ss:$0x1] =	vst.idx.msk $0xffff, v3  }
0x2bf: {  	_ =	swait.ge [sflag:s26], $0x2000  }
0x2c0: {  	[sflag:s26] =	ssyncset.done $0x0  }
0x2c1: {  	[sflag:s26] =	ssyncadd.s32 $0xFFFFE000  }
0x2c2: {  	_ =	swait.ge [sflag:s26], $0x2000  }
0x2c3: {  	s0 =	sadd.s32 $0x300, s0;
	[sflag:s26] =	ssyncset.done $0x0  }
0x2c4: {  	s0 =	sand.u32 $0x1F00, s0;
	[sflag:s26] =	ssyncadd.s32 $0xFFFFE000  }
0x2c5: {  	[tilespmem:s17], [sflag:$0x3] =	stream.indirect.gather [hbm4b:s3+s10], $0x40, s0, s10, $0xb8;
	[tilespmem:$0x16800] =	vst v63  }
0x2c6: {  	s14 =	simm.s32 $0x10100;
	s0 =	sor.u32 $0x2000, s0  }
0x2c7: {  	[tilespmem:s19], [sflag:$0x3] =	stream.indirect.gather [hbm4b:s3+s10], $0x40, s0, s10, $0xb8;
	[tilespmem:$0x16800] =	vst v63  }
0x2c8: {  	s1 =	simm.s32 $0x12100;
	v1 =	vld [tilespmem:s14+$0xC0]  }
0x2c9: {  	v2 =	vld [tilespmem:s1+$0xC0]  }
0x2ca: {  	v3 =	vld [tilespmem:s14+$0xD0]  }
0x2cb: {  	v4 =	vld [tilespmem:s1+$0xD0]  }
0x2cc: {  	v5 =	vld [tilespmem:s14+$0xE0]  }
0x2cd: {  	v6 =	vld [tilespmem:s1+$0xE0]  }
0x2ce: {  	v7 =	vld [tilespmem:s14+$0xF0]  }
0x2cf: {  	v8 =	vld [tilespmem:s1+$0xF0]  }
0x2d0: {  	v9 =	vld [tilespmem:s1+$0xFFFFFF00]  }
0x2d1: {  	v10 =	vld [tilespmem:s14+$0xFFFFFF10]  }
0x2d2: {  	v11 =	vld [tilespmem:s1+$0xFFFFFF10]  }
0x2d3: {  	v12 =	vld [tilespmem:s14+$0xFFFFFF40]  }
0x2d4: {  	v13 =	vld [tilespmem:s1+$0xFFFFFF40]  }
0x2d5: {  	v14 =	vld [tilespmem:s14+$0xFFFFFF50]  }
0x2d6: {  	v15 =	vld [tilespmem:s1+$0xFFFFFF50]  }
0x2d7: {  	v16 =	vld [tilespmem:s14+$0xFFFFFF80]  }
0x2d8: {  	v17 =	vld [tilespmem:s1+$0xFFFFFF80]  }
0x2d9: {  	v18 =	vld [tilespmem:s14+$0xFFFFFF90]  }
0x2da: {  	v19 =	vld [tilespmem:s1+$0xFFFFFF90]  }
0x2db: {  	v20 =	vld [tilespmem:s14+$0xFFFFFFC0]  }
0x2dc: {  	v21 =	vld [tilespmem:s1+$0xFFFFFFC0]  }
0x2dd: {  	v22 =	vld [tilespmem:s14+$0xFFFFFFD0]  }
0x2de: {  	v23 =	vld [tilespmem:s1+$0xFFFFFFD0]  }
0x2df: {  	v24 =	vld [tilespmem:s14+$0x0]  }
0x2e0: {  	v25 =	vld [tilespmem:s1+$0x0]  }
0x2e1: {  	v26 =	vld [tilespmem:s14+$0x10]  }
0x2e2: {  	v27 =	vld [tilespmem:s1+$0x10]  }
0x2e3: {  	v28 =	vld [tilespmem:s14+$0x40]  }
0x2e4: {  	v29 =	vld [tilespmem:s1+$0x40]  }
0x2e5: {  	v30 =	vld [tilespmem:s14+$0x50]  }
0x2e6: {  	v31 =	vld [tilespmem:s1+$0x50]  }
0x2e7: {  	v32 =	vld [tilespmem:s14+$0x80]  }
0x2e8: {  	v33 =	vld [tilespmem:s1+$0x80]  }
0x2e9: {  	v34 =	vld [tilespmem:s14+$0x90]  }
0x2ea: {  	v35 =	vld [tilespmem:s1+$0x90]  }
0x2eb: {  	v36 =	vld [tilespmem:s14+$0xFFFFFF00]  }
0x2ec: {  	v37 =	vld [tilespmem:s14+$0xFFFFFF20]  }
0x2ed: {  	v39 =	vld [tilespmem:s14+$0xFFFFFF60]  }
0x2ee: {  	v40 =	vld [tilespmem:s1+$0xFFFFFF60]  }
0x2ef: {  	v41 =	vld [tilespmem:s14+$0xFFFFFFA0]  }
0x2f0: {  	v42 =	vld [tilespmem:s1+$0xFFFFFFA0]  }
0x2f1: {  	v43 =	vld [tilespmem:s14+$0xFFFFFFE0]  }
0x2f2: {  	v44 =	vld [tilespmem:s1+$0xFFFFFFE0]  }
0x2f3: {  	v49 =	vld [tilespmem:s14+$0xFFFFFF70]  }
0x2f4: {  	v51 =	vld [tilespmem:s1+$0xFFFFFF70];
	v1 =	vmul.f32 v2, v1  }
0x2f5: {  	v38 =	vld [tilespmem:s1+$0xFFFFFF20];
	v2 =	vmul.f32 v4, v3;
	v48 =	vmul.f32 v27, v26  }
0x2f6: {  	v45 =	vld [tilespmem:s14+$0x20];
	v50 =	vmul.f32 v31, v30;
	v52 =	vmul.f32 v33, v32  }
0x2f7: {  	v47 =	vld [tilespmem:s1+$0xFFFFFF30];
	v53 =	vmul.f32 v35, v34;
	v55 =	vmul.f32 v40, v39  }
0x2f8: {  	v54 =	vld [tilespmem:s1+$0xFFFFFFB0];
	v57 =	vmul.f32 v42, v41;
	v1 =	vadd.f32 v2, v1;
	v2 =	vmul.f32 v6, v5  }
0x2f9: {  	v3 =	vld [tilespmem:s1+$0x20];
	v58 =	vmul.f32 v44, v43;
	v61 =	vmul.f32 v51, v49  }
0x2fa: {  	v4 =	vld [tilespmem:s14+$0x60];
	v5 =	vmul.f32 v8, v7;
	v7 =	vmul.f32 v11, v10;
	v1 =	vadd.f32 v2, v1  }
0x2fb: {  	v6 =	vld [tilespmem:s1+$0x60];
	v10 =	vmul.f32 v15, v14;
	v2 =	vmul.f32 v13, v12  }
0x2fc: {  	v14 =	vld [tilespmem:s14+$0xFFFFFF30];
	v15 =	vadd.f32 v5, v1;
	v1 =	vmul.f32 v21, v20;
	v5 =	vmul.f32 v23, v22  }
0x2fd: {  	v8 =	vld [tilespmem:s14+$0xA0];
	v12 =	vmul.f32 v17, v16;
	v13 =	vmul.f32 v19, v18  }
0x2fe: {  	v11 =	vld [tilespmem:s1+$0xA0];
	v17 =	vadd.f32 v53, v52;
	v1 =	vadd.f32 v5, v1;
	v5 =	vmul.f32 v9, v36  }
0x2ff: {  	v3 =	vmul.f32 v3, v45;
	v2 =	vadd.f32 v10, v2;
	v10 =	vmul.f32 v25, v24;
	v9 =	vld [tilespmem:s14+$0xFFFFFFB0]  }
0x300: {  	v56 =	vld [tilespmem:s14+$0xFFFFFFF0];
	v12 =	vadd.f32 v13, v12;
	v5 =	vadd.f32 v7, v5;
	v7 =	vmul.f32 v38, v37  }
0x301: {  	v59 =	vld [tilespmem:s1+$0xFFFFFFF0];
	v13 =	vmul.f32 v29, v28;
	v14 =	vmul.f32 v47, v14;
	v10 =	vadd.f32 v48, v10  }
0x302: {  	v62 =	vmul.f32 v6, v4;
	v2 =	vadd.f32 v55, v2;
	v60 =	vadd.f32 v7, v5;
	v5 =	vld [tilespmem:s14+$0x30]  }
0x303: {  	s0 =	simm.s32 $0x14040;
	v11 =	vmul.f32 v11, v8;
	v13 =	vadd.f32 v50, v13;
	v12 =	vadd.f32 v57, v12;
	v7 =	vld [tilespmem:s1+$0x30]  }
0x304: {  	v6 =	vld [tilespmem:s14+$0x70];
	[tilespmem:s0+$0x30] =	vst v15;
	v1 =	vadd.f32 v58, v1;
	v15 =	vadd.f32 v61, v2;
	v63 =	vmul.f32 v54, v9  }
0x305: {  	v4 =	vadd.f32 v3, v10;
	v9 =	vld [tilespmem:s1+$0x70];
	v14 =	vadd.f32 v14, v60  }
0x306: {  	v8 =	vld [tilespmem:s14+$0xB0];
	v3 =	vadd.f32 v11, v17;
	[tilespmem:s0+$0xFFFFFFD0] =	vst v15;
	v11 =	vadd.f32 v63, v12;
	v12 =	vmul.f32 v59, v56  }
0x307: {  	s16 =	simm.s32 $0x10300;
	v2 =	vadd.f32 v62, v13;
	v10 =	vld [tilespmem:s1+$0xB0];
	s14 =	simm.s32 $0x0;
	[tilespmem:s0+$0xFFFFFFC0] =	vst v14  }
.LBB2_15:
0x308: {  	v13 =	vld [tilespmem:s16+$0xC0];
	[tilespmem:s0+$0xFFFFFFE0] =	vst v11;
	v1 =	vadd.f32 v12, v1;
	v5 =	vmul.f32 v7, v5;
	s1 =	sadd.s32 $0x200, s1  }
0x309: {  	v7 =	vld [tilespmem:s1+$0xC0]  }
0x30a: {  	v11 =	vld [tilespmem:s16+$0xD0];
	[tilespmem:s0+$0xFFFFFFF0] =	vst v1;
	v1 =	vadd.f32 v5, v4;
	v4 =	vmul.f32 v9, v6  }
0x30b: {  	s14 =	sadd.s32 $0x8, s14;
	v5 =	vld [tilespmem:s1+$0xD0]  }
0x30c: {  	p0 =	slt.u32 s14, $0x78;
	v6 =	vld [tilespmem:s16+$0xE0];
	[tilespmem:s0+$0x0] =	vst v1;
	v1 =	vadd.f32 v4, v2;
	v2 =	vmul.f32 v10, v8  }
0x30d: {  	v4 =	vld [tilespmem:s1+$0xE0]  }
0x30e: {  	v8 =	vld [tilespmem:s16+$0xF0];
	[tilespmem:s0+$0x10] =	vst v1;
	v1 =	vadd.f32 v2, v3  }
0x30f: {  	v2 =	vld [tilespmem:s1+$0xF0]  }
0x310: {  	v7 =	vmul.f32 v7, v13;
	v3 =	vld [tilespmem:s1+$0xFFFFFF00];
	v5 =	vmul.f32 v5, v11;
	[tilespmem:s0+$0x20] =	vst v1  }
0x311: {  	v1 =	vld [tilespmem:s16+$0xFFFFFF10]  }
0x312: {  	v9 =	vld [tilespmem:s1+$0xFFFFFF10];
	v5 =	vadd.f32 v5, v7;
	v4 =	vmul.f32 v4, v6  }
0x313: {  	v6 =	vld [tilespmem:s16+$0xFFFFFF40]  }
0x314: {  	v7 =	vld [tilespmem:s1+$0xFFFFFF40];
	v4 =	vadd.f32 v4, v5;
	v2 =	vmul.f32 v2, v8  }
0x315: {  	v5 =	vld [tilespmem:s16+$0xFFFFFF50]  }
0x316: {  	v8 =	vld [tilespmem:s1+$0xFFFFFF50];
	v2 =	vadd.f32 v2, v4  }
0x317: {  	s0 =	sadd.s32 $0x80, s0;
	v1 =	vmul.f32 v9, v1;
	v4 =	vld [tilespmem:s16+$0xFFFFFF80]  }
0x318: {  	v9 =	vld [tilespmem:s1+$0xFFFFFF80];
	[tilespmem:s0+$0x30] =	vst v2  }
0x319: {  	v2 =	vmul.f32 v7, v6;
	v6 =	vld [tilespmem:s16+$0xFFFFFF90]  }
0x31a: {  	v7 =	vld [tilespmem:s1+$0xFFFFFF90]  }
0x31b: {  	v5 =	vmul.f32 v8, v5;
	v8 =	vld [tilespmem:s16+$0xFFFFFFC0]  }
0x31c: {  	v10 =	vld [tilespmem:s1+$0xFFFFFFC0]  }
0x31d: {  	v2 =	vadd.f32 v5, v2;
	v4 =	vmul.f32 v9, v4;
	v5 =	vld [tilespmem:s16+$0xFFFFFFD0]  }
0x31e: {  	v9 =	vld [tilespmem:s1+$0xFFFFFFD0]  }
0x31f: {  	v6 =	vmul.f32 v7, v6;
	v7 =	vld [tilespmem:s16+$0x0]  }
0x320: {  	v11 =	vld [tilespmem:s1+$0x0]  }
0x321: {  	v4 =	vadd.f32 v6, v4;
	v6 =	vmul.f32 v10, v8;
	v8 =	vld [tilespmem:s16+$0x10]  }
0x322: {  	v10 =	vld [tilespmem:s1+$0x10]  }
0x323: {  	v5 =	vmul.f32 v9, v5;
	v9 =	vld [tilespmem:s16+$0x40]  }
0x324: {  	v12 =	vld [tilespmem:s1+$0x40]  }
0x325: {  	v5 =	vadd.f32 v5, v6;
	v6 =	vmul.f32 v11, v7;
	v7 =	vld [tilespmem:s16+$0x50]  }
0x326: {  	v11 =	vld [tilespmem:s1+$0x50]  }
0x327: {  	v8 =	vmul.f32 v10, v8;
	v10 =	vld [tilespmem:s16+$0x80]  }
0x328: {  	v13 =	vld [tilespmem:s1+$0x80]  }
0x329: {  	v6 =	vadd.f32 v8, v6;
	v8 =	vmul.f32 v12, v9;
	v9 =	vld [tilespmem:s16+$0x90]  }
0x32a: {  	v12 =	vld [tilespmem:s1+$0x90]  }
0x32b: {  	v14 =	vld [tilespmem:s16+$0xFFFFFF00];
	v7 =	vmul.f32 v11, v7  }
0x32c: {  	v11 =	vld [tilespmem:s16+$0xFFFFFF20]  }
0x32d: {  	v15 =	vld [tilespmem:s1+$0xFFFFFF20];
	v7 =	vadd.f32 v7, v8;
	v8 =	vmul.f32 v13, v10  }
0x32e: {  	v10 =	vld [tilespmem:s16+$0xFFFFFF60]  }
0x32f: {  	v13 =	vld [tilespmem:s1+$0xFFFFFF60];
	v9 =	vmul.f32 v12, v9  }
0x330: {  	v3 =	vmul.f32 v3, v14;
	v12 =	vld [tilespmem:s16+$0xFFFFFFA0]  }
0x331: {  	v14 =	vld [tilespmem:s1+$0xFFFFFFA0];
	v8 =	vadd.f32 v9, v8  }
0x332: {  	v1 =	vadd.f32 v1, v3;
	v3 =	vmul.f32 v15, v11;
	v9 =	vld [tilespmem:s16+$0xFFFFFFE0]  }
0x333: {  	v11 =	vld [tilespmem:s1+$0xFFFFFFE0]  }
0x334: {  	v15 =	vadd.f32 v3, v1;
	v1 =	vmul.f32 v13, v10;
	v3 =	vld [tilespmem:s16+$0x20]  }
0x335: {  	v10 =	vld [tilespmem:s1+$0x20]  }
0x336: {  	v13 =	vadd.f32 v1, v2;
	v1 =	vmul.f32 v14, v12;
	v2 =	vld [tilespmem:s16+$0x60]  }
0x337: {  	v12 =	vld [tilespmem:s1+$0x60]  }
0x338: {  	v14 =	vadd.f32 v1, v4;
	v1 =	vmul.f32 v11, v9;
	v9 =	vld [tilespmem:s16+$0xA0]  }
0x339: {  	v11 =	vld [tilespmem:s1+$0xA0]  }
0x33a: {  	v16 =	vld [tilespmem:s16+$0xFFFFFF30];
	v1 =	vadd.f32 v1, v5;
	v3 =	vmul.f32 v10, v3  }
0x33b: {  	v5 =	vld [tilespmem:s1+$0xFFFFFF30]  }
0x33c: {  	v10 =	vld [tilespmem:s16+$0xFFFFFF70];
	v4 =	vadd.f32 v3, v6;
	v2 =	vmul.f32 v12, v2  }
0x33d: {  	v6 =	vld [tilespmem:s1+$0xFFFFFF70]  }
0x33e: {  	v12 =	vld [tilespmem:s16+$0xFFFFFFB0];
	v2 =	vadd.f32 v2, v7;
	v3 =	vmul.f32 v11, v9  }
0x33f: {  	v9 =	vld [tilespmem:s1+$0xFFFFFFB0]  }
0x340: {  	v5 =	vmul.f32 v5, v16;
	v16 =	vld [tilespmem:s16+$0xFFFFFFF0];
	v3 =	vadd.f32 v3, v8  }
0x341: {  	v8 =	vld [tilespmem:s1+$0xFFFFFFF0]  }
0x342: {  	v11 =	vadd.f32 v5, v15;
	v6 =	vmul.f32 v6, v10;
	v5 =	vld [tilespmem:s16+$0x30]  }
.Ltmp6:
0x343: {  	v7 =	vld [tilespmem:s1+$0x30];
	(pc) =	sbr.rel @p0 .LBB2_15-.Ltmp6, $4  }
0x344: {  	[tilespmem:s0+$0xFFFFFFC0] =	vst v11;
	v10 =	vadd.f32 v6, v13;
	v11 =	vmul.f32 v9, v12;
	v6 =	vld [tilespmem:s16+$0x70]  }
0x345: {  	v9 =	vld [tilespmem:s1+$0x70]  }
0x346: {  	[tilespmem:s0+$0xFFFFFFD0] =	vst v10;
	v11 =	vadd.f32 v11, v14;
	v12 =	vmul.f32 v8, v16;
	v8 =	vld [tilespmem:s16+$0xB0]  }
0x347: {  	s16 =	sadd.s32 $0x200, s16;
	v10 =	vld [tilespmem:s1+$0xB0]  }
0x348: {  	_ =	sdelay $0x1  }
0x349: {  	v5 =	vmul.f32 v7, v5  }
0x34a: {  	v1 =	vadd.f32 v12, v1;
	v6 =	vmul.f32 v9, v6  }
0x34b: {  	[tilespmem:s0+$0xFFFFFFE0] =	vst v11;
	v4 =	vadd.f32 v5, v4;
	v63 =	vmul.f32 v10, v8  }
0x34c: {  	[tilespmem:s0+$0xFFFFFFF0] =	vst v1;
	v1 =	vadd.f32 v6, v2  }
0x34d: {  	[tilespmem:s0+$0x0] =	vst v4;
	v2 =	vadd.f32 v63, v3  }
0x34e: {  	s1 =	sadd.s32 $0x14800, s31;
	[tilespmem:s0+$0x10] =	vst v1  }
0x34f: {  	p0 =	por $0x1, $0x1;
	v1 =	vmov s1;
	[tilespmem:s0+$0x20] =	vst v2;
	s0 =	simm.s32 $0x0  }
.LBB2_17:
0x350: {  	v2 =	vmov s0  }
0x351: {  	v2 =	vshll.u32 v2, $0x4  }
0x352: {  	v2 =	vor.u32 v0, v2  }
0x353: {  	v3 =	vor.u32 $0x1, v2  }
0x354: {  	v4 =	vor.u32 $0x2, v2  }
0x355: {  	v5 =	vor.u32 $0x3, v2  }
0x356: {  	v6 =	vor.u32 $0x4, v2  }
0x357: {  	v7 =	vor.u32 $0x5, v2;
	v8 =	vld.idx.msk [tilespmem:v2+s23+$0x0], $0xffff  }
0x358: {  	v53 =	vor.u32 $0x7, v2;
	v9 =	vld.idx.msk [tilespmem:v3+s23+$0x0], $0xffff  }
0x359: {  	v54 =	vor.u32 $0x8, v2;
	v10 =	vld.idx.msk [tilespmem:v4+s23+$0x0], $0xffff  }
0x35a: {  	s14 =	sor.u32 $0x20, s0;
	v55 =	vor.u32 $0x9, v2;
	v11 =	vld.idx.msk [tilespmem:v5+s23+$0x0], $0xffff  }
0x35b: {  	s16 =	sor.u32 $0x30, s0;
	v34 =	vmov s14;
	v56 =	vor.u32 $0xA, v2;
	v12 =	vld.idx.msk [tilespmem:v6+s23+$0x0], $0xffff  }
0x35c: {  	v35 =	vmov s16;
	v34 =	vshll.u32 v34, $0x4;
	v17 =	vor.u32 $0xD, v2;
	v13 =	vld.idx.msk [tilespmem:v7+s23+$0x0], $0xffff  }
0x35d: {  	v35 =	vshll.u32 v35, $0x4;
	v34 =	vor.u32 v0, v34;
	v15 =	vld.idx.msk [tilespmem:v53+s23+$0x0], $0xffff  }
0x35e: {  	v35 =	vor.u32 v0, v35;
	v16 =	vld.idx.msk [tilespmem:v54+s23+$0x0], $0xffff  }
0x35f: {  	v57 =	vor.u32 $0xC, v2;
	v18 =	vld.idx.msk [tilespmem:v55+s23+$0x0], $0xffff  }
0x360: {  	v36 =	vor.u32 $0x1, v34;
	v7 =	vld.idx.msk [tilespmem:v56+s23+$0x0], $0xffff  }
0x361: {  	s1 =	sor.u32 $0x10, s0;
	v37 =	vor.u32 $0x1, v35;
	v4 =	vld.idx.msk [tilespmem:v17+s23+$0x0], $0xffff  }
0x362: {  	v58 =	vmov s1;
	v38 =	vor.u32 $0x2, v34;
	v39 =	vld.idx.msk [tilespmem:v34+s23+$0x0], $0xffff  }
0x363: {  	v40 =	vor.u32 $0x2, v35;
	v5 =	vshll.u32 v58, $0x4;
	v42 =	vld.idx.msk [tilespmem:v35+s23+$0x0], $0xffff  }
0x364: {  	v41 =	vor.u32 $0x3, v34;
	v20 =	vor.u32 v0, v5;
	v5 =	vld.idx.msk [tilespmem:v57+s23+$0x0], $0xffff  }
0x365: {  	v43 =	vor.u32 $0x3, v35;
	v36 =	vld.idx.msk [tilespmem:v36+s23+$0x0], $0xffff  }
0x366: {  	v44 =	vor.u32 $0x4, v34;
	v37 =	vld.idx.msk [tilespmem:v37+s23+$0x0], $0xffff  }
0x367: {  	v45 =	vor.u32 $0x4, v35;
	v38 =	vld.idx.msk [tilespmem:v38+s23+$0x0], $0xffff  }
0x368: {  	v63 =	vor.u32 $0x5, v35;
	v40 =	vld.idx.msk [tilespmem:v40+s23+$0x0], $0xffff  }
0x369: {  	v47 =	vor.u32 $0x6, v34;
	v62 =	vld.idx.msk [tilespmem:v41+s23+$0x0], $0xffff  }
0x36a: {  	v3 =	vor.u32 $0x6, v2;
	v48 =	vld.idx.msk [tilespmem:v43+s23+$0x0], $0xffff  }
0x36b: {  	v61 =	vor.u32 $0x5, v34;
	v49 =	vld.idx.msk [tilespmem:v44+s23+$0x0], $0xffff  }
0x36c: {  	v54 =	vor.u32 $0x7, v35;
	v52 =	vld.idx.msk [tilespmem:v45+s23+$0x0], $0xffff  }
0x36d: {  	v56 =	vld.idx.msk [tilespmem:v63+s23+$0x0], $0xffff  }
0x36e: {  	v58 =	vor.u32 $0x8, v35;
	v57 =	vld.idx.msk [tilespmem:v47+s23+$0x0], $0xffff  }
0x36f: {  	v21 =	vor.u32 $0x1, v20;
	v14 =	vld.idx.msk [tilespmem:v3+s23+$0x0], $0xffff  }
0x370: {  	v59 =	vor.u32 $0x2, v20;
	v8 =	vadd.f32 v9, v8;
	v9 =	vld.idx.msk [tilespmem:v61+s23+$0x0], $0xffff  }
0x371: {  	v22 =	vor.u32 $0x4, v20;
	v63 =	vld.idx.msk [tilespmem:v54+s23+$0x0], $0xffff  }
0x372: {  	v24 =	vor.u32 $0x5, v20;
	v23 =	vld.idx.msk [tilespmem:v20+s23+$0x0], $0xffff  }
0x373: {  	v25 =	vor.u32 $0x6, v20;
	v46 =	vadd.f32 v36, v39;
	v39 =	vld.idx.msk [tilespmem:v58+s23+$0x0], $0xffff  }
0x374: {  	v26 =	vor.u32 $0x7, v20;
	v21 =	vld.idx.msk [tilespmem:v21+s23+$0x0], $0xffff  }
0x375: {  	v27 =	vor.u32 $0x8, v20;
	v17 =	vld.idx.msk [tilespmem:v59+s23+$0x0], $0xffff  }
0x376: {  	v3 =	vor.u32 $0xB, v2;
	v22 =	vld.idx.msk [tilespmem:v22+s23+$0x0], $0xffff  }
0x377: {  	v19 =	vor.u32 $0xE, v2;
	v24 =	vld.idx.msk [tilespmem:v24+s23+$0x0], $0xffff  }
0x378: {  	v60 =	vor.u32 $0x3, v20;
	v25 =	vld.idx.msk [tilespmem:v25+s23+$0x0], $0xffff  }
0x379: {  	v28 =	vor.u32 $0x9, v20;
	v26 =	vld.idx.msk [tilespmem:v26+s23+$0x0], $0xffff  }
0x37a: {  	v29 =	vor.u32 $0xA, v20;
	v27 =	vld.idx.msk [tilespmem:v27+s23+$0x0], $0xffff  }
0x37b: {  	v30 =	vor.u32 $0xB, v20;
	v6 =	vld.idx.msk [tilespmem:v3+s23+$0x0], $0xffff  }
0x37c: {  	v31 =	vor.u32 $0xC, v20;
	v8 =	vadd.f32 v10, v8;
	v3 =	vld.idx.msk [tilespmem:v19+s23+$0x0], $0xffff  }
0x37d: {  	v32 =	vor.u32 $0xD, v20;
	v19 =	vld.idx.msk [tilespmem:v60+s23+$0x0], $0xffff  }
0x37e: {  	v51 =	vor.u32 $0x7, v34;
	v28 =	vld.idx.msk [tilespmem:v28+s23+$0x0], $0xffff;
	v8 =	vadd.f32 v11, v8;
	v21 =	vadd.f32 v21, v23  }
0x37f: {  	v50 =	vor.u32 $0x6, v35;
	v37 =	vadd.f32 v37, v42;
	v29 =	vld.idx.msk [tilespmem:v29+s23+$0x0], $0xffff;
	v10 =	vadd.f32 v38, v46  }
0x380: {  	v33 =	vor.u32 $0xE, v20;
	v30 =	vld.idx.msk [tilespmem:v30+s23+$0x0], $0xffff;
	v8 =	vadd.f32 v12, v8;
	v17 =	vadd.f32 v17, v21  }
0x381: {  	v55 =	vor.u32 $0x8, v34;
	v31 =	vld.idx.msk [tilespmem:v31+s23+$0x0], $0xffff;
	v53 =	vadd.f32 v40, v37;
	v10 =	vadd.f32 v62, v10  }
0x382: {  	v2 =	vor.u32 $0xF, v2;
	v32 =	vld.idx.msk [tilespmem:v32+s23+$0x0], $0xffff;
	v8 =	vadd.f32 v13, v8;
	v17 =	vadd.f32 v19, v17  }
0x383: {  	v59 =	vor.u32 $0x9, v34;
	v11 =	vld.idx.msk [tilespmem:v51+s23+$0x0], $0xffff;
	v10 =	vadd.f32 v49, v10;
	v19 =	vadd.f32 v48, v53  }
0x384: {  	v61 =	vor.u32 $0x9, v35;
	v60 =	vld.idx.msk [tilespmem:v50+s23+$0x0], $0xffff;
	v8 =	vadd.f32 v14, v8;
	v17 =	vadd.f32 v22, v17  }
0x385: {  	v33 =	vld.idx.msk [tilespmem:v33+s23+$0x0], $0xffff;
	v62 =	vor.u32 $0xA, v34;
	v9 =	vadd.f32 v9, v10;
	v19 =	vadd.f32 v52, v19  }
0x386: {  	v37 =	vor.u32 $0xA, v35;
	v12 =	vld.idx.msk [tilespmem:v55+s23+$0x0], $0xffff;
	v8 =	vadd.f32 v15, v8;
	v17 =	vadd.f32 v24, v17  }
0x387: {  	v38 =	vor.u32 $0xB, v34;
	v2 =	vld.idx.msk [tilespmem:v2+s23+$0x0], $0xffff;
	v9 =	vadd.f32 v57, v9;
	v19 =	vadd.f32 v56, v19  }
0x388: {  	v40 =	vor.u32 $0xB, v35;
	v13 =	vld.idx.msk [tilespmem:v59+s23+$0x0], $0xffff;
	v8 =	vadd.f32 v16, v8;
	v17 =	vadd.f32 v25, v17  }
0x389: {  	v41 =	vor.u32 $0xC, v34;
	v42 =	vld.idx.msk [tilespmem:v61+s23+$0x0], $0xffff;
	v9 =	vadd.f32 v11, v9;
	v19 =	vadd.f32 v60, v19  }
0x38a: {  	v43 =	vor.u32 $0xC, v35;
	v10 =	vld.idx.msk [tilespmem:v62+s23+$0x0], $0xffff;
	v8 =	vadd.f32 v18, v8;
	v17 =	vadd.f32 v26, v17  }
0x38b: {  	v44 =	vor.u32 $0xD, v34;
	v45 =	vld.idx.msk [tilespmem:v37+s23+$0x0], $0xffff;
	v9 =	vadd.f32 v12, v9;
	v14 =	vadd.f32 v63, v19  }
0x38c: {  	v46 =	vor.u32 $0xD, v35;
	v15 =	vld.idx.msk [tilespmem:v38+s23+$0x0], $0xffff;
	v7 =	vadd.f32 v7, v8;
	v17 =	vadd.f32 v27, v17  }
0x38d: {  	v49 =	vld.idx.msk [tilespmem:v40+s23+$0x0], $0xffff;
	v48 =	vor.u32 $0xE, v34;
	v47 =	vadd.f32 v13, v9;
	v14 =	vadd.f32 v39, v14  }
0x38e: {  	v50 =	vor.u32 $0xE, v35;
	v11 =	vld.idx.msk [tilespmem:v41+s23+$0x0], $0xffff;
	v6 =	vadd.f32 v6, v7;
	v17 =	vadd.f32 v28, v17  }
0x38f: {  	v53 =	vld.idx.msk [tilespmem:v43+s23+$0x0], $0xffff;
	v52 =	vor.u32 $0xF, v34;
	v51 =	vadd.f32 v10, v47;
	v14 =	vadd.f32 v42, v14  }
0x390: {  	v20 =	vor.u32 $0xF, v20;
	v12 =	vld.idx.msk [tilespmem:v44+s23+$0x0], $0xffff;
	v5 =	vadd.f32 v5, v6;
	v17 =	vadd.f32 v29, v17  }
0x391: {  	v54 =	vor.u32 $0xF, v35;
	v56 =	vld.idx.msk [tilespmem:v46+s23+$0x0], $0xffff;
	v55 =	vadd.f32 v15, v51;
	v14 =	vadd.f32 v45, v14  }
0x392: {  	v9 =	vld.idx.msk [tilespmem:v48+s23+$0x0], $0xffff;
	v4 =	vadd.f32 v4, v5;
	v17 =	vadd.f32 v30, v17  }
0x393: {  	v59 =	vld.idx.msk [tilespmem:v50+s23+$0x0], $0xffff;
	v58 =	vadd.f32 v11, v55;
	v13 =	vadd.f32 v49, v14  }
0x394: {  	v8 =	vld.idx.msk [tilespmem:v52+s23+$0x0], $0xffff;
	v3 =	vadd.f32 v3, v4;
	v57 =	vadd.f32 v31, v17  }
0x395: {  	v20 =	vld.idx.msk [tilespmem:v20+s23+$0x0], $0xffff;
	v61 =	vadd.f32 v12, v58;
	v10 =	vadd.f32 v53, v13  }
0x396: {  	v62 =	vld.idx.msk [tilespmem:v54+s23+$0x0], $0xffff;
	v2 =	vadd.f32 v2, v3;
	v60 =	vadd.f32 v32, v57  }
0x397: {  	v3 =	vadd.f32 v9, v61;
	v7 =	vadd.f32 v56, v10  }
0x398: {  	p1 =	por p0, p0;
	v11 =	vadd.f32 v33, v60  }
.Ltmp7:
0x399: {  	[tilespmem:v1+s0+$0x0 ss:$0x1] =	vst.idx.msk $0xffff, v2;
	v2 =	vadd.f32 v8, v3;
	v6 =	vadd.f32 v59, v7;
	(pc) =	sbr.rel @p1 .LBB2_17-.Ltmp7, $4  }
0x39a: {  	v63 =	vadd.f32 v20, v11  }
0x39b: {  	[tilespmem:v1+s14+$0x0 ss:$0x1] =	vst.idx.msk $0xffff, v2;
	v3 =	vadd.f32 v62, v6  }
0x39c: {  	[tilespmem:v1+s1+$0x0 ss:$0x1] =	vst.idx.msk $0xffff, v63  }
0x39d: {  	p0 =	por $0x0, $0x0;
	s0 =	simm.s32 $0x40;
	[tilespmem:v1+s16+$0x0 ss:$0x1] =	vst.idx.msk $0xffff, v3  }
0x39e: {  	s30 =	sadd.s32 $0x1, s30  }
0x39f: {  	p0 =	sne.s32 s30, $0x10  }
.Ltmp8:
0x3a0: {  	_ = 	snop;
	(pc) =	sbr.rel @p0 .LBB2_2-.Ltmp8, $1  }
0x3a1: {  	_ =	sdelay $0x3  }
0x3a2: {  	_ =	swait.ge [sflag:s20], $0x2000  }
0x3a3: {  	[sflag:s20] =	ssyncset.done $0x0  }
0x3a4: {  	[sflag:s20] =	ssyncadd.s32 $0xFFFFE000  }
0x3a5: {  	_ =	swait.ge [sflag:s20], $0x2000  }
0x3a6: {  	[sflag:s20] =	ssyncset.done $0x0  }
0x3a7: {  	[sflag:s20] =	ssyncadd.s32 $0xFFFFE000  }
0x3a8: {  	_ =	swait.ge [sflag:s24], $0x2000  }
0x3a9: {  	[sflag:s24] =	ssyncset.done $0x0  }
0x3aa: {  	[sflag:s24] =	ssyncadd.s32 $0xFFFFE000  }
0x3ab: {  	_ =	swait.ge [sflag:s24], $0x2000  }
0x3ac: {  	[sflag:s24] =	ssyncset.done $0x0  }
0x3ad: {  	[sflag:s24] =	ssyncadd.s32 $0xFFFFE000  }
0x3ae: {  	_ =	swait.ge [sflag:s25], $0x2000  }
0x3af: {  	[sflag:s25] =	ssyncset.done $0x0  }
0x3b0: {  	[sflag:s25] =	ssyncadd.s32 $0xFFFFE000  }
0x3b1: {  	s29 =	sadd.s32 $0x1, s29;
	_ =	swait.ge [sflag:s25], $0x2000  }
0x3b2: {  	p0 =	sne.s32 s29, s7;
	[sflag:s25] =	ssyncset.done $0x0  }
.Ltmp9:
0x3b3: {  	[sflag:s25] =	ssyncadd.s32 $0xFFFFE000;
	(pc) =	sbr.rel @p0 .LBB2_1-.Ltmp9, $4  }
0x3b4: {  	[hbm4b:s6+s2] =	stream.linear.scatter [tilespmem:s28], [sflag:$0x5], $0x2000, $0x38;
	[tilespmem:$0x16800] =	vst v63  }
0x3b5: {  	_ =	swait.ge [sflag:s8], $0x2000  }
0x3b6: {  	[sflag:s8] =	ssyncset.done $0x0  }
0x3b7: {  	[sflag:s8] =	ssyncadd.s32 $0xFFFFE000  }
0x3b8: {  	_ =	sfence.sel $0x180000  }
0x3b9: {  	[bflag:$0x0] =	sbarrier.arrive $0xFFFF  }
0x3ba: {  	_ =	strace $0x90000047  }
0x3bb: {  	s0 =	stileid.u32;
	[bflag:$0x2] =	sbarrier.arrive $0xFFFF  }
0x3bc: {  	p0 =	sne.s32 s0, $0x0;
	s0 =	rddreg [dreg:$0x2]  }
0x3bd: {  	s0 =	sadd.s32 @!p0 $0x100000, s0  }
0x3be: {  	[sflag:s0] =	ssyncadd.tile.s32 @!p0 $0x1;
	_ =	shalt  }
.Lfunc_end2:
_tile_overlayer_lowered:
.L_overlay_start_2:
0x3bf: {  	(tag) =	ssettag $0x2  }
0x3c0: {  	s0 =	rddreg [dreg:$0x0];
	s2 =	stileid.u32  }
0x3c1: {  	s1 =	rddreg [dreg:$0x1];
	p0 =	sne.s32 s2, $0x0  }
0x3c2: {  	s3 =	rddreg [dreg:$0x2];
	[bflag:$0x3] =	sbarrier.arrive $0xFFFF;
	s2 =	simm.s32 @!p0 $0x1C05  }
0x3c3: {  	[timem:s3], [sflag:s2] =	dma.local @!p0 [hbm:s0], s1  }
0x3c4: {  	s0 =	simm.s32 @!p0 $0x5  }
0x3c5: {  	_ =	swait.ge @!p0 [sflag:s0], s1  }
0x3c6: {  	s1 =	ssub.s32 @!p0 $0x0, s1;
	[sflag:s0] =	ssyncset.done @!p0 $0x0  }
0x3c7: {  	[sflag:s0] =	ssyncadd.s32 @!p0 s1  }
0x3c8: {  	[bflag:$0x3] =	sbarrier.arrive $0xFFFF  }
0x3c9: {  	_ =	shalt  }

</sc_bundles>
